<compile_context>
chip_gen: v7x
topology: tpu7x:2x2x1
jax: 0.10.2.dev20260603
libtpu: 0.0.44.dev20260713+nightly
codegen_flags: <defaults>
</compile_context>

<pallas_src>
import functools

import jax
import jax.numpy as jnp
from jax import lax
from jax.experimental import pallas as pl
from jax.experimental.pallas import tpu as pltpu
from jax.experimental.pallas import tpu_sc as plsc

SIGMA = 2.0
RADIUS = 6
W = 13
L = 100000
D = 64
B = 16384
VOCAB = 1000000

NUM_WORKERS = 32
NB = B // NUM_WORKERS
NGROUPS = NB // 16
CHB = 64
NCH = NB // CHB
CHROWS = CHB * W


def _tile_body(s_hbm, tok_hbm, tab_hbm, out_hbm,
               s_v, pos_v, tokc_v, tokh_v, rows_v, out_v, sem):
    cid = lax.axis_index("c")
    sid = lax.axis_index("s")
    wid = sid * 2 + cid
    b0 = wid * NB

    pltpu.sync_copy(s_hbm.at[pl.ds(b0, NB)], s_v.at[pl.ds(0, NB)])

    def wgt_body(g, carry):
        sv = s_v[pl.ds(g * 16, 16)]
        base = sv.astype(jnp.int32)
        for j in range(W):
            idx = base + (j - RADIUS)
            pos_v[pl.ds(j * NB + g * 16, 16)] = jnp.clip(idx, 0, L - 1)
        return carry

    lax.fori_loop(0, NGROUPS, wgt_body, 0)

    def chunk_body(c, carry):
        tok_copies = [
            pltpu.async_copy(
                tok_hbm.at[pos_v.at[pl.ds(j * NB + c * CHB, CHB)]],
                tokc_v.at[pl.ds(j * CHB, CHB)], sem)
            for j in range(W)
        ]
        for cp in tok_copies:
            cp.wait()

        def half_body(q, carry4):
            tokh_v[pl.ds(q * 16, 16)] = (
                tokc_v[pl.ds(q * 16, 16)] >> 1)
            return carry4

        lax.fori_loop(0, CHROWS // 16, half_body, 0)

        row_copies = [
            pltpu.async_copy(
                tab_hbm.at[tokh_v.at[pl.ds(j * CHB, CHB)]],
                rows_v.at[pl.ds(j * CHB, CHB)], sem)
            for j in range(W)
        ]
        for cp in row_copies:
            cp.wait()

        def b_body(bl, carry2):
            b = c * CHB + bl
            sval = s_v[pl.ds(b, 16)][0]
            sv = jnp.full((16,), sval, jnp.float32)
            base = sv.astype(jnp.int32)
            basef = base.astype(jnp.float32)
            acc0 = jnp.zeros((16,), jnp.float32)
            acc1 = jnp.zeros((16,), jnp.float32)
            acc2 = jnp.zeros((16,), jnp.float32)
            acc3 = jnp.zeros((16,), jnp.float32)
            wsum = jnp.zeros((16,), jnp.float32)
            for j in range(W):
                idx = base + (j - RADIUS)
                validf = jnp.where((idx >= 0) & (idx < L), 1.0, 0.0)
                z = (basef + float(j - RADIUS) - sv) * (1.0 / SIGMA)
                wj = jnp.exp(-0.5 * z * z) * validf
                wsum = wsum + wj
                r = j * CHB + bl
                off = (tokc_v[pl.ds(r, 16)][0] & 1) * D
                acc0 = acc0 + wj * rows_v[r, pl.ds(off, 16)]
                acc1 = acc1 + wj * rows_v[r, pl.ds(off + 16, 16)]
                acc2 = acc2 + wj * rows_v[r, pl.ds(off + 32, 16)]
                acc3 = acc3 + wj * rows_v[r, pl.ds(off + 48, 16)]
            inv = 1.0 / jnp.maximum(wsum, 1e-8)
            out_v[bl, pl.ds(0, 16)] = acc0 * inv
            out_v[bl, pl.ds(16, 16)] = acc1 * inv
            out_v[bl, pl.ds(32, 16)] = acc2 * inv
            out_v[bl, pl.ds(48, 16)] = acc3 * inv
            return carry2

        lax.fori_loop(0, CHB, b_body, 0)
        pltpu.sync_copy(out_v, out_hbm.at[pl.ds(b0 + c * CHB, CHB)])
        return carry

    lax.fori_loop(0, NCH, chunk_body, 0)


@functools.lru_cache(maxsize=1)
def _build():
    @functools.partial(
        pl.kernel,
        out_type=jax.ShapeDtypeStruct((B, D), jnp.float32),
        mesh=plsc.VectorSubcoreMesh(
            core_axis_name="c", subcore_axis_name="s"),
        scratch_types=[
            pltpu.VMEM((NB + 16,), jnp.float32),
            pltpu.VMEM((W * NB,), jnp.int32),
            pltpu.VMEM((CHROWS + 16,), jnp.int32),
            pltpu.VMEM((CHROWS,), jnp.int32),
            pltpu.VMEM((CHROWS, 2 * D), jnp.float32),
            pltpu.VMEM((CHB, D), jnp.float32),
            pltpu.SemaphoreType.DMA,
        ],
    )
    def _gauss_read(s_hbm, tok_hbm, tab_hbm, out_hbm,
                    s_v, pos_v, tokc_v, tokh_v, rows_v, out_v, sem):
        _tile_body(s_hbm, tok_hbm, tab_hbm, out_hbm,
                   s_v, pos_v, tokc_v, tokh_v, rows_v, out_v, sem)

    return _gauss_read


def kernel(s, token_ids, table):
    assert s.shape == (B,) and token_ids.shape == (L,)
    assert table.shape == (VOCAB, D)
    tab2 = table.reshape(VOCAB // 2, 2 * D)
    return _build()(s, token_ids, tab2)

# --- scband reference (transcript-rebuilt; emitter-appended) ---
"""Pipeline reference for scband-gaussian-trunc-renorm-read-port-28243704938564 (READ-ONLY COPY).

The authoritative reference and input builder live on the scoring server;
editing this copy changes nothing except your own understanding.
"""

import jax, jax.numpy as jnp
import numpy as np
import math

SIGMA = 2.0
TRUNC = 3.0
RADIUS = int(math.ceil(TRUNC * SIGMA))  # 6 -> window of 13
L = 100000          # token sequence length
VOCAB = 1000000     # embedding rows
D = 64              # embedding dim
B = 16384           # batch of pointers


def setup_inputs(seed: int = 0) -> dict:
    key = jax.random.key(seed)
    k1, k2, k3 = jax.random.split(key, 3)
    # s: [B] float pointer in [0, L-1]
    s = jax.random.uniform(k1, (B,), dtype=jnp.float32) * (L - 1)
    # buffer token_ids: [L] int ids into the embedding table
    token_ids = jax.random.randint(k2, (L,), 0, VOCAB, dtype=jnp.int32)
    # learned embedding table per init (num_embeddings=VOCAB, embedding_dim=D)
    table = jax.random.normal(k3, (VOCAB, D), dtype=jnp.float32) * 0.02
    return {"s": s, "token_ids": token_ids, "table": table}


def reference(s, token_ids, table):
    offsets = jnp.arange(-RADIUS, RADIUS + 1, dtype=jnp.int32)  # [W]
    base = jnp.floor(s).astype(jnp.int32)                        # [B]
    idx = base[:, None] + offsets[None, :]                       # [B, W]
    valid = (idx >= 0) & (idx < L)
    idx_clamped = jnp.clip(idx, 0, L - 1)
    dist = idx.astype(s.dtype) - s[:, None]                      # [B, W]
    w = jnp.exp(-0.5 * (dist / SIGMA) ** 2)
    w = w * valid.astype(w.dtype)
    w = w / jnp.clip(jnp.sum(w, axis=1, keepdims=True), 1e-8, None)
    gathered_tokens = jnp.take(token_ids, idx_clamped, axis=0)   # [B, W]
    emb = jnp.take(table, gathered_tokens, axis=0)               # [B, W, D]
    y = jnp.sum(w[..., None] * emb, axis=1)                      # [B, D]
    return y

if __name__ == "__main__":
    import jax
    _d = setup_inputs()
    print(jax.jit(kernel)(*tuple(_d.values())))

</pallas_src>

<mosaic_0001>
#map = affine_map<(d0, d1) -> (0)>
#map1 = affine_map<(d0, d1) -> (0, 0)>
module attributes {stable_mosaic.version = 14 : i64} {
  func.func @_gauss_read(%arg0: i32, %arg1: i32, %arg2: memref<16384xf32, #tpu.memory_space<hbm>>, %arg3: memref<100000xi32, #tpu.memory_space<hbm>>, %arg4: memref<500000x128xf32, #tpu.memory_space<hbm>>, %arg5: memref<16384x64xf32, #tpu.memory_space<hbm>>, %arg6: memref<528xf32, #tpu.memory_space<vmem>>, %arg7: memref<6656xi32, #tpu.memory_space<vmem>>, %arg8: memref<848xi32, #tpu.memory_space<vmem>>, %arg9: memref<832xi32, #tpu.memory_space<vmem>>, %arg10: memref<832x128xf32, #tpu.memory_space<vmem>>, %arg11: memref<64x64xf32, #tpu.memory_space<vmem>>, %arg12: memref<!tpu.dma_semaphore, #tpu.memory_space<semaphore_mem>>) attributes {dimension_semantics = [#tpu.dimension_semantics<core_parallel>, #tpu.dimension_semantics<subcore_parallel>], iteration_bounds = array<i64: 2, 16>, scalar_prefetch = 0 : i64, scratch_operands = 7 : i64, tpu.core_type = #tpu.core_type<sc_vector_subcore>, window_params = [{transform_indices = #map}, {transform_indices = #map}, {transform_indices = #map1}, {transform_indices = #map1}]} {
    %mul3A = arith.constant 2 : i32
    %mul3A_0 = arith.muli %arg1, %mul3A : i32
    %add3A = arith.addi %mul3A_0, %arg0 : i32
    %mul3A_1 = arith.constant 512 : i32
    %mul3A_2 = arith.muli %add3A, %mul3A_1 : i32
    "tpu.region"() ({
      %run_scoped3A = tpu.sem_alloc : memref<!tpu.dma_semaphore, #tpu.memory_space<semaphore_mem>>
      %dma_start3A = arith.constant 0 : i32
      %dma_start3A_14 = tpu.memref_slice %arg6[%dma_start3A] : memref<528xf32, #tpu.memory_space<vmem>> -> memref<512xf32, #tpu.memory_space<vmem>>
      %dma_start3A_15 = tpu.memref_slice %arg2[%mul3A_2] : memref<16384xf32, #tpu.memory_space<hbm>> -> memref<512xf32, #tpu.memory_space<hbm>>
      %dma_start3A_16 = arith.constant 0 : i32
      %dma_start3A_17 = tpu.memref_slice %arg6[%dma_start3A_16] : memref<528xf32, #tpu.memory_space<vmem>> -> memref<512xf32, #tpu.memory_space<vmem>>
      %dma_start3A_18 = tpu.memref_slice %arg2[%mul3A_2] : memref<16384xf32, #tpu.memory_space<hbm>> -> memref<512xf32, #tpu.memory_space<hbm>>
      tpu.enqueue_dma source(%dma_start3A_18 : memref<512xf32, #tpu.memory_space<hbm>>) target(%dma_start3A_17 : memref<512xf32, #tpu.memory_space<vmem>>) target_semaphore(%run_scoped3A : memref<!tpu.dma_semaphore, #tpu.memory_space<semaphore_mem>>)
      %dma_wait3A = arith.constant 0 : i32
      %dma_wait3A_19 = tpu.memref_slice %arg6[%dma_wait3A] : memref<528xf32, #tpu.memory_space<vmem>> -> memref<512xf32, #tpu.memory_space<vmem>>
      %dma_wait3A_20 = tpu.memref_slice %arg2[%mul3A_2] : memref<16384xf32, #tpu.memory_space<hbm>> -> memref<512xf32, #tpu.memory_space<hbm>>
      %dma_wait3A_21 = arith.constant 0 : i32
      %dma_wait3A_22 = tpu.memref_slice %arg6[%dma_wait3A_21] : memref<528xf32, #tpu.memory_space<vmem>> -> memref<512xf32, #tpu.memory_space<vmem>>
      %dma_wait3A_23 = tpu.memref_slice %arg2[%mul3A_2] : memref<16384xf32, #tpu.memory_space<hbm>> -> memref<512xf32, #tpu.memory_space<hbm>>
      tpu.wait_dma2 semaphore(%run_scoped3A : memref<!tpu.dma_semaphore, #tpu.memory_space<semaphore_mem>>) src(%dma_wait3A_23 : memref<512xf32, #tpu.memory_space<hbm>>) dst(%dma_wait3A_22 : memref<512xf32, #tpu.memory_space<vmem>>)
      tpu.yield
    }) : () -> ()
    %scan3A = arith.constant 0 : i32
    %scan3A_3 = arith.constant 0 : i32
    %scan3A_4 = arith.constant 32 : i32
    %scan3A_5 = arith.addi %scan3A_3, %scan3A_4 : i32
    %scan3A_6 = arith.constant 1 : i32
    scf.for %scan3A_14 = %scan3A_3 to %scan3A_5 step %scan3A_6  : i32 {
      %mul3A_15 = arith.constant 16 : i32
      %mul3A_16 = arith.muli %scan3A_14, %mul3A_15 : i32
      %get3A = arith.index_cast %mul3A_16 : i32 to index
      %get3A_17 = tpu.vector_load %arg6[%get3A] {strides = array<i32>} : memref<528xf32, #tpu.memory_space<vmem>>, vector<16xf32>,
      %get3A_18 = vector.shape_cast %get3A_17 : vector<16xf32> to vector<16xf32>
      %convert_element_type3A = arith.fptosi %get3A_18 : vector<16xf32> to vector<16xi32>
      %add3A_19 = arith.constant -6 : i32
      %add3A_20 = vector.broadcast %add3A_19 : i32 to vector<16xi32>
      %add3A_21 = arith.addi %convert_element_type3A, %add3A_20 : vector<16xi32>
      %jit3A = arith.constant 0 : i32
      %jit3A_22 = arith.constant 99999 : i32
      %max3A = vector.broadcast %jit3A : i32 to vector<16xi32>
      %max3A_23 = arith.maxsi %max3A, %add3A_21 : vector<16xi32>
      %min3A = vector.broadcast %jit3A_22 : i32 to vector<16xi32>
      %min3A_24 = arith.minsi %min3A, %max3A_23 : vector<16xi32>
      %mul3A_25 = arith.constant 16 : i32
      %mul3A_26 = arith.muli %scan3A_14, %mul3A_25 : i32
      %add3A_27 = arith.constant 0 : i32
      %add3A_28 = arith.addi %add3A_27, %mul3A_26 : i32
      %swap3A = arith.index_cast %add3A_28 : i32 to index
      %swap3A_29 = tpu.vector_load %arg7[%swap3A] {strides = array<i32>} : memref<6656xi32, #tpu.memory_space<vmem>>, vector<16xi32>,
      %swap3A_30 = vector.shape_cast %swap3A_29 : vector<16xi32> to vector<16xi32>
      %swap3A_31 = vector.shape_cast %min3A_24 : vector<16xi32> to vector<16xi32>
      tpu.vector_store %arg7[%swap3A], %swap3A_31 {strides = array<i32>} : memref<6656xi32, #tpu.memory_space<vmem>>, vector<16xi32>,
      %add3A_32 = arith.constant -5 : i32
      %add3A_33 = vector.broadcast %add3A_32 : i32 to vector<16xi32>
      %add3A_34 = arith.addi %convert_element_type3A, %add3A_33 : vector<16xi32>
      %jit3A_35 = arith.constant 0 : i32
      %jit3A_36 = arith.constant 99999 : i32
      %max3A_37 = vector.broadcast %jit3A_35 : i32 to vector<16xi32>
      %max3A_38 = arith.maxsi %max3A_37, %add3A_34 : vector<16xi32>
      %min3A_39 = vector.broadcast %jit3A_36 : i32 to vector<16xi32>
      %min3A_40 = arith.minsi %min3A_39, %max3A_38 : vector<16xi32>
      %mul3A_41 = arith.constant 16 : i32
      %mul3A_42 = arith.muli %scan3A_14, %mul3A_41 : i32
      %add3A_43 = arith.constant 512 : i32
      %add3A_44 = arith.addi %add3A_43, %mul3A_42 : i32
      %swap3A_45 = arith.index_cast %add3A_44 : i32 to index
      %swap3A_46 = tpu.vector_load %arg7[%swap3A_45] {strides = array<i32>} : memref<6656xi32, #tpu.memory_space<vmem>>, vector<16xi32>,
      %swap3A_47 = vector.shape_cast %swap3A_46 : vector<16xi32> to vector<16xi32>
      %swap3A_48 = vector.shape_cast %min3A_40 : vector<16xi32> to vector<16xi32>
      tpu.vector_store %arg7[%swap3A_45], %swap3A_48 {strides = array<i32>} : memref<6656xi32, #tpu.memory_space<vmem>>, vector<16xi32>,
      %add3A_49 = arith.constant -4 : i32
      %add3A_50 = vector.broadcast %add3A_49 : i32 to vector<16xi32>
      %add3A_51 = arith.addi %convert_element_type3A, %add3A_50 : vector<16xi32>
      %jit3A_52 = arith.constant 0 : i32
      %jit3A_53 = arith.constant 99999 : i32
      %max3A_54 = vector.broadcast %jit3A_52 : i32 to vector<16xi32>
      %max3A_55 = arith.maxsi %max3A_54, %add3A_51 : vector<16xi32>
      %min3A_56 = vector.broadcast %jit3A_53 : i32 to vector<16xi32>
      %min3A_57 = arith.minsi %min3A_56, %max3A_55 : vector<16xi32>
      %mul3A_58 = arith.constant 16 : i32
      %mul3A_59 = arith.muli %scan3A_14, %mul3A_58 : i32
      %add3A_60 = arith.constant 1024 : i32
      %add3A_61 = arith.addi %add3A_60, %mul3A_59 : i32
      %swap3A_62 = arith.index_cast %add3A_61 : i32 to index
      %swap3A_63 = tpu.vector_load %arg7[%swap3A_62] {strides = array<i32>} : memref<6656xi32, #tpu.memory_space<vmem>>, vector<16xi32>,
      %swap3A_64 = vector.shape_cast %swap3A_63 : vector<16xi32> to vector<16xi32>
      %swap3A_65 = vector.shape_cast %min3A_57 : vector<16xi32> to vector<16xi32>
      tpu.vector_store %arg7[%swap3A_62], %swap3A_65 {strides = array<i32>} : memref<6656xi32, #tpu.memory_space<vmem>>, vector<16xi32>,
      %add3A_66 = arith.constant -3 : i32
      %add3A_67 = vector.broadcast %add3A_66 : i32 to vector<16xi32>
      %add3A_68 = arith.addi %convert_element_type3A, %add3A_67 : vector<16xi32>
      %jit3A_69 = arith.constant 0 : i32
      %jit3A_70 = arith.constant 99999 : i32
      %max3A_71 = vector.broadcast %jit3A_69 : i32 to vector<16xi32>
      %max3A_72 = arith.maxsi %max3A_71, %add3A_68 : vector<16xi32>
      %min3A_73 = vector.broadcast %jit3A_70 : i32 to vector<16xi32>
      %min3A_74 = arith.minsi %min3A_73, %max3A_72 : vector<16xi32>
      %mul3A_75 = arith.constant 16 : i32
      %mul3A_76 = arith.muli %scan3A_14, %mul3A_75 : i32
      %add3A_77 = arith.constant 1536 : i32
      %add3A_78 = arith.addi %add3A_77, %mul3A_76 : i32
      %swap3A_79 = arith.index_cast %add3A_78 : i32 to index
      %swap3A_80 = tpu.vector_load %arg7[%swap3A_79] {strides = array<i32>} : memref<6656xi32, #tpu.memory_space<vmem>>, vector<16xi32>,
      %swap3A_81 = vector.shape_cast %swap3A_80 : vector<16xi32> to vector<16xi32>
      %swap3A_82 = vector.shape_cast %min3A_74 : vector<16xi32> to vector<16xi32>
      tpu.vector_store %arg7[%swap3A_79], %swap3A_82 {strides = array<i32>} : memref<6656xi32, #tpu.memory_space<vmem>>, vector<16xi32>,
      %add3A_83 = arith.constant -2 : i32
      %add3A_84 = vector.broadcast %add3A_83 : i32 to vector<16xi32>
      %add3A_85 = arith.addi %convert_element_type3A, %add3A_84 : vector<16xi32>
      %jit3A_86 = arith.constant 0 : i32
      %jit3A_87 = arith.constant 99999 : i32
      %max3A_88 = vector.broadcast %jit3A_86 : i32 to vector<16xi32>
      %max3A_89 = arith.maxsi %max3A_88, %add3A_85 : vector<16xi32>
      %min3A_90 = vector.broadcast %jit3A_87 : i32 to vector<16xi32>
      %min3A_91 = arith.minsi %min3A_90, %max3A_89 : vector<16xi32>
      %mul3A_92 = arith.constant 16 : i32
      %mul3A_93 = arith.muli %scan3A_14, %mul3A_92 : i32
      %add3A_94 = arith.constant 2048 : i32
      %add3A_95 = arith.addi %add3A_94, %mul3A_93 : i32
      %swap3A_96 = arith.index_cast %add3A_95 : i32 to index
      %swap3A_97 = tpu.vector_load %arg7[%swap3A_96] {strides = array<i32>} : memref<6656xi32, #tpu.memory_space<vmem>>, vector<16xi32>,
      %swap3A_98 = vector.shape_cast %swap3A_97 : vector<16xi32> to vector<16xi32>
      %swap3A_99 = vector.shape_cast %min3A_91 : vector<16xi32> to vector<16xi32>
      tpu.vector_store %arg7[%swap3A_96], %swap3A_99 {strides = array<i32>} : memref<6656xi32, #tpu.memory_space<vmem>>, vector<16xi32>,
      %add3A_100 = arith.constant -1 : i32
      %add3A_101 = vector.broadcast %add3A_100 : i32 to vector<16xi32>
      %add3A_102 = arith.addi %convert_element_type3A, %add3A_101 : vector<16xi32>
      %jit3A_103 = arith.constant 0 : i32
      %jit3A_104 = arith.constant 99999 : i32
      %max3A_105 = vector.broadcast %jit3A_103 : i32 to vector<16xi32>
      %max3A_106 = arith.maxsi %max3A_105, %add3A_102 : vector<16xi32>
      %min3A_107 = vector.broadcast %jit3A_104 : i32 to vector<16xi32>
      %min3A_108 = arith.minsi %min3A_107, %max3A_106 : vector<16xi32>
      %mul3A_109 = arith.constant 16 : i32
      %mul3A_110 = arith.muli %scan3A_14, %mul3A_109 : i32
      %add3A_111 = arith.constant 2560 : i32
      %add3A_112 = arith.addi %add3A_111, %mul3A_110 : i32
      %swap3A_113 = arith.index_cast %add3A_112 : i32 to index
      %swap3A_114 = tpu.vector_load %arg7[%swap3A_113] {strides = array<i32>} : memref<6656xi32, #tpu.memory_space<vmem>>, vector<16xi32>,
      %swap3A_115 = vector.shape_cast %swap3A_114 : vector<16xi32> to vector<16xi32>
      %swap3A_116 = vector.shape_cast %min3A_108 : vector<16xi32> to vector<16xi32>
      tpu.vector_store %arg7[%swap3A_113], %swap3A_116 {strides = array<i32>} : memref<6656xi32, #tpu.memory_space<vmem>>, vector<16xi32>,
      %add3A_117 = arith.constant 0 : i32
      %add3A_118 = vector.broadcast %add3A_117 : i32 to vector<16xi32>
      %add3A_119 = arith.addi %convert_element_type3A, %add3A_118 : vector<16xi32>
      %jit3A_120 = arith.constant 0 : i32
      %jit3A_121 = arith.constant 99999 : i32
      %max3A_122 = vector.broadcast %jit3A_120 : i32 to vector<16xi32>
      %max3A_123 = arith.maxsi %max3A_122, %add3A_119 : vector<16xi32>
      %min3A_124 = vector.broadcast %jit3A_121 : i32 to vector<16xi32>
      %min3A_125 = arith.minsi %min3A_124, %max3A_123 : vector<16xi32>
      %mul3A_126 = arith.constant 16 : i32
      %mul3A_127 = arith.muli %scan3A_14, %mul3A_126 : i32
      %add3A_128 = arith.constant 3072 : i32
      %add3A_129 = arith.addi %add3A_128, %mul3A_127 : i32
      %swap3A_130 = arith.index_cast %add3A_129 : i32 to index
      %swap3A_131 = tpu.vector_load %arg7[%swap3A_130] {strides = array<i32>} : memref<6656xi32, #tpu.memory_space<vmem>>, vector<16xi32>,
      %swap3A_132 = vector.shape_cast %swap3A_131 : vector<16xi32> to vector<16xi32>
      %swap3A_133 = vector.shape_cast %min3A_125 : vector<16xi32> to vector<16xi32>
      tpu.vector_store %arg7[%swap3A_130], %swap3A_133 {strides = array<i32>} : memref<6656xi32, #tpu.memory_space<vmem>>, vector<16xi32>,
      %add3A_134 = arith.constant 1 : i32
      %add3A_135 = vector.broadcast %add3A_134 : i32 to vector<16xi32>
      %add3A_136 = arith.addi %convert_element_type3A, %add3A_135 : vector<16xi32>
      %jit3A_137 = arith.constant 0 : i32
      %jit3A_138 = arith.constant 99999 : i32
      %max3A_139 = vector.broadcast %jit3A_137 : i32 to vector<16xi32>
      %max3A_140 = arith.maxsi %max3A_139, %add3A_136 : vector<16xi32>
      %min3A_141 = vector.broadcast %jit3A_138 : i32 to vector<16xi32>
      %min3A_142 = arith.minsi %min3A_141, %max3A_140 : vector<16xi32>
      %mul3A_143 = arith.constant 16 : i32
      %mul3A_144 = arith.muli %scan3A_14, %mul3A_143 : i32
      %add3A_145 = arith.constant 3584 : i32
      %add3A_146 = arith.addi %add3A_145, %mul3A_144 : i32
      %swap3A_147 = arith.index_cast %add3A_146 : i32 to index
      %swap3A_148 = tpu.vector_load %arg7[%swap3A_147] {strides = array<i32>} : memref<6656xi32, #tpu.memory_space<vmem>>, vector<16xi32>,
      %swap3A_149 = vector.shape_cast %swap3A_148 : vector<16xi32> to vector<16xi32>
      %swap3A_150 = vector.shape_cast %min3A_142 : vector<16xi32> to vector<16xi32>
      tpu.vector_store %arg7[%swap3A_147], %swap3A_150 {strides = array<i32>} : memref<6656xi32, #tpu.memory_space<vmem>>, vector<16xi32>,
      %add3A_151 = arith.constant 2 : i32
      %add3A_152 = vector.broadcast %add3A_151 : i32 to vector<16xi32>
      %add3A_153 = arith.addi %convert_element_type3A, %add3A_152 : vector<16xi32>
      %jit3A_154 = arith.constant 0 : i32
      %jit3A_155 = arith.constant 99999 : i32
      %max3A_156 = vector.broadcast %jit3A_154 : i32 to vector<16xi32>
      %max3A_157 = arith.maxsi %max3A_156, %add3A_153 : vector<16xi32>
      %min3A_158 = vector.broadcast %jit3A_155 : i32 to vector<16xi32>
      %min3A_159 = arith.minsi %min3A_158, %max3A_157 : vector<16xi32>
      %mul3A_160 = arith.constant 16 : i32
      %mul3A_161 = arith.muli %scan3A_14, %mul3A_160 : i32
      %add3A_162 = arith.constant 4096 : i32
      %add3A_163 = arith.addi %add3A_162, %mul3A_161 : i32
      %swap3A_164 = arith.index_cast %add3A_163 : i32 to index
      %swap3A_165 = tpu.vector_load %arg7[%swap3A_164] {strides = array<i32>} : memref<6656xi32, #tpu.memory_space<vmem>>, vector<16xi32>,
      %swap3A_166 = vector.shape_cast %swap3A_165 : vector<16xi32> to vector<16xi32>
      %swap3A_167 = vector.shape_cast %min3A_159 : vector<16xi32> to vector<16xi32>
      tpu.vector_store %arg7[%swap3A_164], %swap3A_167 {strides = array<i32>} : memref<6656xi32, #tpu.memory_space<vmem>>, vector<16xi32>,
      %add3A_168 = arith.constant 3 : i32
      %add3A_169 = vector.broadcast %add3A_168 : i32 to vector<16xi32>
      %add3A_170 = arith.addi %convert_element_type3A, %add3A_169 : vector<16xi32>
      %jit3A_171 = arith.constant 0 : i32
      %jit3A_172 = arith.constant 99999 : i32
      %max3A_173 = vector.broadcast %jit3A_171 : i32 to vector<16xi32>
      %max3A_174 = arith.maxsi %max3A_173, %add3A_170 : vector<16xi32>
      %min3A_175 = vector.broadcast %jit3A_172 : i32 to vector<16xi32>
      %min3A_176 = arith.minsi %min3A_175, %max3A_174 : vector<16xi32>
      %mul3A_177 = arith.constant 16 : i32
      %mul3A_178 = arith.muli %scan3A_14, %mul3A_177 : i32
      %add3A_179 = arith.constant 4608 : i32
      %add3A_180 = arith.addi %add3A_179, %mul3A_178 : i32
      %swap3A_181 = arith.index_cast %add3A_180 : i32 to index
      %swap3A_182 = tpu.vector_load %arg7[%swap3A_181] {strides = array<i32>} : memref<6656xi32, #tpu.memory_space<vmem>>, vector<16xi32>,
      %swap3A_183 = vector.shape_cast %swap3A_182 : vector<16xi32> to vector<16xi32>
      %swap3A_184 = vector.shape_cast %min3A_176 : vector<16xi32> to vector<16xi32>
      tpu.vector_store %arg7[%swap3A_181], %swap3A_184 {strides = array<i32>} : memref<6656xi32, #tpu.memory_space<vmem>>, vector<16xi32>,
      %add3A_185 = arith.constant 4 : i32
      %add3A_186 = vector.broadcast %add3A_185 : i32 to vector<16xi32>
      %add3A_187 = arith.addi %convert_element_type3A, %add3A_186 : vector<16xi32>
      %jit3A_188 = arith.constant 0 : i32
      %jit3A_189 = arith.constant 99999 : i32
      %max3A_190 = vector.broadcast %jit3A_188 : i32 to vector<16xi32>
      %max3A_191 = arith.maxsi %max3A_190, %add3A_187 : vector<16xi32>
      %min3A_192 = vector.broadcast %jit3A_189 : i32 to vector<16xi32>
      %min3A_193 = arith.minsi %min3A_192, %max3A_191 : vector<16xi32>
      %mul3A_194 = arith.constant 16 : i32
      %mul3A_195 = arith.muli %scan3A_14, %mul3A_194 : i32
      %add3A_196 = arith.constant 5120 : i32
      %add3A_197 = arith.addi %add3A_196, %mul3A_195 : i32
      %swap3A_198 = arith.index_cast %add3A_197 : i32 to index
      %swap3A_199 = tpu.vector_load %arg7[%swap3A_198] {strides = array<i32>} : memref<6656xi32, #tpu.memory_space<vmem>>, vector<16xi32>,
      %swap3A_200 = vector.shape_cast %swap3A_199 : vector<16xi32> to vector<16xi32>
      %swap3A_201 = vector.shape_cast %min3A_193 : vector<16xi32> to vector<16xi32>
      tpu.vector_store %arg7[%swap3A_198], %swap3A_201 {strides = array<i32>} : memref<6656xi32, #tpu.memory_space<vmem>>, vector<16xi32>,
      %add3A_202 = arith.constant 5 : i32
      %add3A_203 = vector.broadcast %add3A_202 : i32 to vector<16xi32>
      %add3A_204 = arith.addi %convert_element_type3A, %add3A_203 : vector<16xi32>
      %jit3A_205 = arith.constant 0 : i32
      %jit3A_206 = arith.constant 99999 : i32
      %max3A_207 = vector.broadcast %jit3A_205 : i32 to vector<16xi32>
      %max3A_208 = arith.maxsi %max3A_207, %add3A_204 : vector<16xi32>
      %min3A_209 = vector.broadcast %jit3A_206 : i32 to vector<16xi32>
      %min3A_210 = arith.minsi %min3A_209, %max3A_208 : vector<16xi32>
      %mul3A_211 = arith.constant 16 : i32
      %mul3A_212 = arith.muli %scan3A_14, %mul3A_211 : i32
      %add3A_213 = arith.constant 5632 : i32
      %add3A_214 = arith.addi %add3A_213, %mul3A_212 : i32
      %swap3A_215 = arith.index_cast %add3A_214 : i32 to index
      %swap3A_216 = tpu.vector_load %arg7[%swap3A_215] {strides = array<i32>} : memref<6656xi32, #tpu.memory_space<vmem>>, vector<16xi32>,
      %swap3A_217 = vector.shape_cast %swap3A_216 : vector<16xi32> to vector<16xi32>
      %swap3A_218 = vector.shape_cast %min3A_210 : vector<16xi32> to vector<16xi32>
      tpu.vector_store %arg7[%swap3A_215], %swap3A_218 {strides = array<i32>} : memref<6656xi32, #tpu.memory_space<vmem>>, vector<16xi32>,
      %add3A_219 = arith.constant 6 : i32
      %add3A_220 = vector.broadcast %add3A_219 : i32 to vector<16xi32>
      %add3A_221 = arith.addi %convert_element_type3A, %add3A_220 : vector<16xi32>
      %jit3A_222 = arith.constant 0 : i32
      %jit3A_223 = arith.constant 99999 : i32
      %max3A_224 = vector.broadcast %jit3A_222 : i32 to vector<16xi32>
      %max3A_225 = arith.maxsi %max3A_224, %add3A_221 : vector<16xi32>
      %min3A_226 = vector.broadcast %jit3A_223 : i32 to vector<16xi32>
      %min3A_227 = arith.minsi %min3A_226, %max3A_225 : vector<16xi32>
      %mul3A_228 = arith.constant 16 : i32
      %mul3A_229 = arith.muli %scan3A_14, %mul3A_228 : i32
      %add3A_230 = arith.constant 6144 : i32
      %add3A_231 = arith.addi %add3A_230, %mul3A_229 : i32
      %swap3A_232 = arith.index_cast %add3A_231 : i32 to index
      %swap3A_233 = tpu.vector_load %arg7[%swap3A_232] {strides = array<i32>} : memref<6656xi32, #tpu.memory_space<vmem>>, vector<16xi32>,
      %swap3A_234 = vector.shape_cast %swap3A_233 : vector<16xi32> to vector<16xi32>
      %swap3A_235 = vector.shape_cast %min3A_227 : vector<16xi32> to vector<16xi32>
      tpu.vector_store %arg7[%swap3A_232], %swap3A_235 {strides = array<i32>} : memref<6656xi32, #tpu.memory_space<vmem>>, vector<16xi32>,
    }
    %scan3A_7 = arith.constant 32 : i32
    %scan3A_8 = arith.constant 0 : i32
    %scan3A_9 = arith.constant 0 : i32
    %scan3A_10 = arith.constant 8 : i32
    %scan3A_11 = arith.addi %scan3A_9, %scan3A_10 : i32
    %scan3A_12 = arith.constant 1 : i32
    scf.for %scan3A_14 = %scan3A_9 to %scan3A_11 step %scan3A_12  : i32 {
      %mul3A_15 = arith.constant 64 : i32
      %mul3A_16 = arith.muli %scan3A_14, %mul3A_15 : i32
      %add3A_17 = arith.constant 0 : i32
      %add3A_18 = arith.addi %add3A_17, %mul3A_16 : i32
      %dma_start3A = arith.constant 0 : i32
      %dma_start3A_19 = tpu.memref_slice %arg8[%dma_start3A] : memref<848xi32, #tpu.memory_space<vmem>> -> memref<64xi32, #tpu.memory_space<vmem>>
      %dma_start3A_20 = tpu.memref_slice %arg7[%add3A_18] : memref<6656xi32, #tpu.memory_space<vmem>> -> memref<64xi32, #tpu.memory_space<vmem>>
      %dma_start3A_21 = arith.constant 0 : i32
      %dma_start3A_22 = tpu.memref_slice %arg3[%dma_start3A_21] : memref<100000xi32, #tpu.memory_space<hbm>> -> memref<100000xi32, #tpu.memory_space<hbm>>
      tpu.enqueue_indirect_dma source(%dma_start3A_22 : memref<100000xi32, #tpu.memory_space<hbm>>) target(%dma_start3A_19 : memref<64xi32, #tpu.memory_space<vmem>>) offsets(%dma_start3A_20 : memref<64xi32, #tpu.memory_space<vmem>>) semaphore(%arg12 : memref<!tpu.dma_semaphore, #tpu.memory_space<semaphore_mem>>)
      %mul3A_23 = arith.constant 64 : i32
      %mul3A_24 = arith.muli %scan3A_14, %mul3A_23 : i32
      %add3A_25 = arith.constant 512 : i32
      %add3A_26 = arith.addi %add3A_25, %mul3A_24 : i32
      %dma_start3A_27 = arith.constant 64 : i32
      %dma_start3A_28 = tpu.memref_slice %arg8[%dma_start3A_27] : memref<848xi32, #tpu.memory_space<vmem>> -> memref<64xi32, #tpu.memory_space<vmem>>
      %dma_start3A_29 = tpu.memref_slice %arg7[%add3A_26] : memref<6656xi32, #tpu.memory_space<vmem>> -> memref<64xi32, #tpu.memory_space<vmem>>
      %dma_start3A_30 = arith.constant 0 : i32
      %dma_start3A_31 = tpu.memref_slice %arg3[%dma_start3A_30] : memref<100000xi32, #tpu.memory_space<hbm>> -> memref<100000xi32, #tpu.memory_space<hbm>>
      tpu.enqueue_indirect_dma source(%dma_start3A_31 : memref<100000xi32, #tpu.memory_space<hbm>>) target(%dma_start3A_28 : memref<64xi32, #tpu.memory_space<vmem>>) offsets(%dma_start3A_29 : memref<64xi32, #tpu.memory_space<vmem>>) semaphore(%arg12 : memref<!tpu.dma_semaphore, #tpu.memory_space<semaphore_mem>>)
      %mul3A_32 = arith.constant 64 : i32
      %mul3A_33 = arith.muli %scan3A_14, %mul3A_32 : i32
      %add3A_34 = arith.constant 1024 : i32
      %add3A_35 = arith.addi %add3A_34, %mul3A_33 : i32
      %dma_start3A_36 = arith.constant 128 : i32
      %dma_start3A_37 = tpu.memref_slice %arg8[%dma_start3A_36] : memref<848xi32, #tpu.memory_space<vmem>> -> memref<64xi32, #tpu.memory_space<vmem>>
      %dma_start3A_38 = tpu.memref_slice %arg7[%add3A_35] : memref<6656xi32, #tpu.memory_space<vmem>> -> memref<64xi32, #tpu.memory_space<vmem>>
      %dma_start3A_39 = arith.constant 0 : i32
      %dma_start3A_40 = tpu.memref_slice %arg3[%dma_start3A_39] : memref<100000xi32, #tpu.memory_space<hbm>> -> memref<100000xi32, #tpu.memory_space<hbm>>
      tpu.enqueue_indirect_dma source(%dma_start3A_40 : memref<100000xi32, #tpu.memory_space<hbm>>) target(%dma_start3A_37 : memref<64xi32, #tpu.memory_space<vmem>>) offsets(%dma_start3A_38 : memref<64xi32, #tpu.memory_space<vmem>>) semaphore(%arg12 : memref<!tpu.dma_semaphore, #tpu.memory_space<semaphore_mem>>)
      %mul3A_41 = arith.constant 64 : i32
      %mul3A_42 = arith.muli %scan3A_14, %mul3A_41 : i32
      %add3A_43 = arith.constant 1536 : i32
      %add3A_44 = arith.addi %add3A_43, %mul3A_42 : i32
      %dma_start3A_45 = arith.constant 192 : i32
      %dma_start3A_46 = tpu.memref_slice %arg8[%dma_start3A_45] : memref<848xi32, #tpu.memory_space<vmem>> -> memref<64xi32, #tpu.memory_space<vmem>>
      %dma_start3A_47 = tpu.memref_slice %arg7[%add3A_44] : memref<6656xi32, #tpu.memory_space<vmem>> -> memref<64xi32, #tpu.memory_space<vmem>>
      %dma_start3A_48 = arith.constant 0 : i32
      %dma_start3A_49 = tpu.memref_slice %arg3[%dma_start3A_48] : memref<100000xi32, #tpu.memory_space<hbm>> -> memref<100000xi32, #tpu.memory_space<hbm>>
      tpu.enqueue_indirect_dma source(%dma_start3A_49 : memref<100000xi32, #tpu.memory_space<hbm>>) target(%dma_start3A_46 : memref<64xi32, #tpu.memory_space<vmem>>) offsets(%dma_start3A_47 : memref<64xi32, #tpu.memory_space<vmem>>) semaphore(%arg12 : memref<!tpu.dma_semaphore, #tpu.memory_space<semaphore_mem>>)
      %mul3A_50 = arith.constant 64 : i32
      %mul3A_51 = arith.muli %scan3A_14, %mul3A_50 : i32
      %add3A_52 = arith.constant 2048 : i32
      %add3A_53 = arith.addi %add3A_52, %mul3A_51 : i32
      %dma_start3A_54 = arith.constant 256 : i32
      %dma_start3A_55 = tpu.memref_slice %arg8[%dma_start3A_54] : memref<848xi32, #tpu.memory_space<vmem>> -> memref<64xi32, #tpu.memory_space<vmem>>
      %dma_start3A_56 = tpu.memref_slice %arg7[%add3A_53] : memref<6656xi32, #tpu.memory_space<vmem>> -> memref<64xi32, #tpu.memory_space<vmem>>
      %dma_start3A_57 = arith.constant 0 : i32
      %dma_start3A_58 = tpu.memref_slice %arg3[%dma_start3A_57] : memref<100000xi32, #tpu.memory_space<hbm>> -> memref<100000xi32, #tpu.memory_space<hbm>>
      tpu.enqueue_indirect_dma source(%dma_start3A_58 : memref<100000xi32, #tpu.memory_space<hbm>>) target(%dma_start3A_55 : memref<64xi32, #tpu.memory_space<vmem>>) offsets(%dma_start3A_56 : memref<64xi32, #tpu.memory_space<vmem>>) semaphore(%arg12 : memref<!tpu.dma_semaphore, #tpu.memory_space<semaphore_mem>>)
      %mul3A_59 = arith.constant 64 : i32
      %mul3A_60 = arith.muli %scan3A_14, %mul3A_59 : i32
      %add3A_61 = arith.constant 2560 : i32
      %add3A_62 = arith.addi %add3A_61, %mul3A_60 : i32
      %dma_start3A_63 = arith.constant 320 : i32
      %dma_start3A_64 = tpu.memref_slice %arg8[%dma_start3A_63] : memref<848xi32, #tpu.memory_space<vmem>> -> memref<64xi32, #tpu.memory_space<vmem>>
      %dma_start3A_65 = tpu.memref_slice %arg7[%add3A_62] : memref<6656xi32, #tpu.memory_space<vmem>> -> memref<64xi32, #tpu.memory_space<vmem>>
      %dma_start3A_66 = arith.constant 0 : i32
      %dma_start3A_67 = tpu.memref_slice %arg3[%dma_start3A_66] : memref<100000xi32, #tpu.memory_space<hbm>> -> memref<100000xi32, #tpu.memory_space<hbm>>
      tpu.enqueue_indirect_dma source(%dma_start3A_67 : memref<100000xi32, #tpu.memory_space<hbm>>) target(%dma_start3A_64 : memref<64xi32, #tpu.memory_space<vmem>>) offsets(%dma_start3A_65 : memref<64xi32, #tpu.memory_space<vmem>>) semaphore(%arg12 : memref<!tpu.dma_semaphore, #tpu.memory_space<semaphore_mem>>)
      %mul3A_68 = arith.constant 64 : i32
      %mul3A_69 = arith.muli %scan3A_14, %mul3A_68 : i32
      %add3A_70 = arith.constant 3072 : i32
      %add3A_71 = arith.addi %add3A_70, %mul3A_69 : i32
      %dma_start3A_72 = arith.constant 384 : i32
      %dma_start3A_73 = tpu.memref_slice %arg8[%dma_start3A_72] : memref<848xi32, #tpu.memory_space<vmem>> -> memref<64xi32, #tpu.memory_space<vmem>>
      %dma_start3A_74 = tpu.memref_slice %arg7[%add3A_71] : memref<6656xi32, #tpu.memory_space<vmem>> -> memref<64xi32, #tpu.memory_space<vmem>>
      %dma_start3A_75 = arith.constant 0 : i32
      %dma_start3A_76 = tpu.memref_slice %arg3[%dma_start3A_75] : memref<100000xi32, #tpu.memory_space<hbm>> -> memref<100000xi32, #tpu.memory_space<hbm>>
      tpu.enqueue_indirect_dma source(%dma_start3A_76 : memref<100000xi32, #tpu.memory_space<hbm>>) target(%dma_start3A_73 : memref<64xi32, #tpu.memory_space<vmem>>) offsets(%dma_start3A_74 : memref<64xi32, #tpu.memory_space<vmem>>) semaphore(%arg12 : memref<!tpu.dma_semaphore, #tpu.memory_space<semaphore_mem>>)
      %mul3A_77 = arith.constant 64 : i32
      %mul3A_78 = arith.muli %scan3A_14, %mul3A_77 : i32
      %add3A_79 = arith.constant 3584 : i32
      %add3A_80 = arith.addi %add3A_79, %mul3A_78 : i32
      %dma_start3A_81 = arith.constant 448 : i32
      %dma_start3A_82 = tpu.memref_slice %arg8[%dma_start3A_81] : memref<848xi32, #tpu.memory_space<vmem>> -> memref<64xi32, #tpu.memory_space<vmem>>
      %dma_start3A_83 = tpu.memref_slice %arg7[%add3A_80] : memref<6656xi32, #tpu.memory_space<vmem>> -> memref<64xi32, #tpu.memory_space<vmem>>
      %dma_start3A_84 = arith.constant 0 : i32
      %dma_start3A_85 = tpu.memref_slice %arg3[%dma_start3A_84] : memref<100000xi32, #tpu.memory_space<hbm>> -> memref<100000xi32, #tpu.memory_space<hbm>>
      tpu.enqueue_indirect_dma source(%dma_start3A_85 : memref<100000xi32, #tpu.memory_space<hbm>>) target(%dma_start3A_82 : memref<64xi32, #tpu.memory_space<vmem>>) offsets(%dma_start3A_83 : memref<64xi32, #tpu.memory_space<vmem>>) semaphore(%arg12 : memref<!tpu.dma_semaphore, #tpu.memory_space<semaphore_mem>>)
      %mul3A_86 = arith.constant 64 : i32
      %mul3A_87 = arith.muli %scan3A_14, %mul3A_86 : i32
      %add3A_88 = arith.constant 4096 : i32
      %add3A_89 = arith.addi %add3A_88, %mul3A_87 : i32
      %dma_start3A_90 = arith.constant 512 : i32
      %dma_start3A_91 = tpu.memref_slice %arg8[%dma_start3A_90] : memref<848xi32, #tpu.memory_space<vmem>> -> memref<64xi32, #tpu.memory_space<vmem>>
      %dma_start3A_92 = tpu.memref_slice %arg7[%add3A_89] : memref<6656xi32, #tpu.memory_space<vmem>> -> memref<64xi32, #tpu.memory_space<vmem>>
      %dma_start3A_93 = arith.constant 0 : i32
      %dma_start3A_94 = tpu.memref_slice %arg3[%dma_start3A_93] : memref<100000xi32, #tpu.memory_space<hbm>> -> memref<100000xi32, #tpu.memory_space<hbm>>
      tpu.enqueue_indirect_dma source(%dma_start3A_94 : memref<100000xi32, #tpu.memory_space<hbm>>) target(%dma_start3A_91 : memref<64xi32, #tpu.memory_space<vmem>>) offsets(%dma_start3A_92 : memref<64xi32, #tpu.memory_space<vmem>>) semaphore(%arg12 : memref<!tpu.dma_semaphore, #tpu.memory_space<semaphore_mem>>)
      %mul3A_95 = arith.constant 64 : i32
      %mul3A_96 = arith.muli %scan3A_14, %mul3A_95 : i32
      %add3A_97 = arith.constant 4608 : i32
      %add3A_98 = arith.addi %add3A_97, %mul3A_96 : i32
      %dma_start3A_99 = arith.constant 576 : i32
      %dma_start3A_100 = tpu.memref_slice %arg8[%dma_start3A_99] : memref<848xi32, #tpu.memory_space<vmem>> -> memref<64xi32, #tpu.memory_space<vmem>>
      %dma_start3A_101 = tpu.memref_slice %arg7[%add3A_98] : memref<6656xi32, #tpu.memory_space<vmem>> -> memref<64xi32, #tpu.memory_space<vmem>>
      %dma_start3A_102 = arith.constant 0 : i32
      %dma_start3A_103 = tpu.memref_slice %arg3[%dma_start3A_102] : memref<100000xi32, #tpu.memory_space<hbm>> -> memref<100000xi32, #tpu.memory_space<hbm>>
      tpu.enqueue_indirect_dma source(%dma_start3A_103 : memref<100000xi32, #tpu.memory_space<hbm>>) target(%dma_start3A_100 : memref<64xi32, #tpu.memory_space<vmem>>) offsets(%dma_start3A_101 : memref<64xi32, #tpu.memory_space<vmem>>) semaphore(%arg12 : memref<!tpu.dma_semaphore, #tpu.memory_space<semaphore_mem>>)
      %mul3A_104 = arith.constant 64 : i32
      %mul3A_105 = arith.muli %scan3A_14, %mul3A_104 : i32
      %add3A_106 = arith.constant 5120 : i32
      %add3A_107 = arith.addi %add3A_106, %mul3A_105 : i32
      %dma_start3A_108 = arith.constant 640 : i32
      %dma_start3A_109 = tpu.memref_slice %arg8[%dma_start3A_108] : memref<848xi32, #tpu.memory_space<vmem>> -> memref<64xi32, #tpu.memory_space<vmem>>
      %dma_start3A_110 = tpu.memref_slice %arg7[%add3A_107] : memref<6656xi32, #tpu.memory_space<vmem>> -> memref<64xi32, #tpu.memory_space<vmem>>
      %dma_start3A_111 = arith.constant 0 : i32
      %dma_start3A_112 = tpu.memref_slice %arg3[%dma_start3A_111] : memref<100000xi32, #tpu.memory_space<hbm>> -> memref<100000xi32, #tpu.memory_space<hbm>>
      tpu.enqueue_indirect_dma source(%dma_start3A_112 : memref<100000xi32, #tpu.memory_space<hbm>>) target(%dma_start3A_109 : memref<64xi32, #tpu.memory_space<vmem>>) offsets(%dma_start3A_110 : memref<64xi32, #tpu.memory_space<vmem>>) semaphore(%arg12 : memref<!tpu.dma_semaphore, #tpu.memory_space<semaphore_mem>>)
      %mul3A_113 = arith.constant 64 : i32
      %mul3A_114 = arith.muli %scan3A_14, %mul3A_113 : i32
      %add3A_115 = arith.constant 5632 : i32
      %add3A_116 = arith.addi %add3A_115, %mul3A_114 : i32
      %dma_start3A_117 = arith.constant 704 : i32
      %dma_start3A_118 = tpu.memref_slice %arg8[%dma_start3A_117] : memref<848xi32, #tpu.memory_space<vmem>> -> memref<64xi32, #tpu.memory_space<vmem>>
      %dma_start3A_119 = tpu.memref_slice %arg7[%add3A_116] : memref<6656xi32, #tpu.memory_space<vmem>> -> memref<64xi32, #tpu.memory_space<vmem>>
      %dma_start3A_120 = arith.constant 0 : i32
      %dma_start3A_121 = tpu.memref_slice %arg3[%dma_start3A_120] : memref<100000xi32, #tpu.memory_space<hbm>> -> memref<100000xi32, #tpu.memory_space<hbm>>
      tpu.enqueue_indirect_dma source(%dma_start3A_121 : memref<100000xi32, #tpu.memory_space<hbm>>) target(%dma_start3A_118 : memref<64xi32, #tpu.memory_space<vmem>>) offsets(%dma_start3A_119 : memref<64xi32, #tpu.memory_space<vmem>>) semaphore(%arg12 : memref<!tpu.dma_semaphore, #tpu.memory_space<semaphore_mem>>)
      %mul3A_122 = arith.constant 64 : i32
      %mul3A_123 = arith.muli %scan3A_14, %mul3A_122 : i32
      %add3A_124 = arith.constant 6144 : i32
      %add3A_125 = arith.addi %add3A_124, %mul3A_123 : i32
      %dma_start3A_126 = arith.constant 768 : i32
      %dma_start3A_127 = tpu.memref_slice %arg8[%dma_start3A_126] : memref<848xi32, #tpu.memory_space<vmem>> -> memref<64xi32, #tpu.memory_space<vmem>>
      %dma_start3A_128 = tpu.memref_slice %arg7[%add3A_125] : memref<6656xi32, #tpu.memory_space<vmem>> -> memref<64xi32, #tpu.memory_space<vmem>>
      %dma_start3A_129 = arith.constant 0 : i32
      %dma_start3A_130 = tpu.memref_slice %arg3[%dma_start3A_129] : memref<100000xi32, #tpu.memory_space<hbm>> -> memref<100000xi32, #tpu.memory_space<hbm>>
      tpu.enqueue_indirect_dma source(%dma_start3A_130 : memref<100000xi32, #tpu.memory_space<hbm>>) target(%dma_start3A_127 : memref<64xi32, #tpu.memory_space<vmem>>) offsets(%dma_start3A_128 : memref<64xi32, #tpu.memory_space<vmem>>) semaphore(%arg12 : memref<!tpu.dma_semaphore, #tpu.memory_space<semaphore_mem>>)
      %dma_wait3A = arith.constant 0 : i32
      %dma_wait3A_131 = tpu.memref_slice %arg8[%dma_wait3A] : memref<848xi32, #tpu.memory_space<vmem>> -> memref<64xi32, #tpu.memory_space<vmem>>
      %dma_wait3A_132 = tpu.memref_slice %arg7[%add3A_18] : memref<6656xi32, #tpu.memory_space<vmem>> -> memref<64xi32, #tpu.memory_space<vmem>>
      %dma_wait3A_133 = arith.constant 0 : i32
      %dma_wait3A_134 = tpu.memref_slice %arg3[%dma_wait3A_133] : memref<100000xi32, #tpu.memory_space<hbm>> -> memref<100000xi32, #tpu.memory_space<hbm>>
      tpu.wait_indirect_dma semaphore(%arg12 : memref<!tpu.dma_semaphore, #tpu.memory_space<semaphore_mem>>) src(%dma_wait3A_134 : memref<100000xi32, #tpu.memory_space<hbm>>) dst(%dma_wait3A_131 : memref<64xi32, #tpu.memory_space<vmem>>)
      %dma_wait3A_135 = arith.constant 64 : i32
      %dma_wait3A_136 = tpu.memref_slice %arg8[%dma_wait3A_135] : memref<848xi32, #tpu.memory_space<vmem>> -> memref<64xi32, #tpu.memory_space<vmem>>
      %dma_wait3A_137 = tpu.memref_slice %arg7[%add3A_26] : memref<6656xi32, #tpu.memory_space<vmem>> -> memref<64xi32, #tpu.memory_space<vmem>>
      %dma_wait3A_138 = arith.constant 0 : i32
      %dma_wait3A_139 = tpu.memref_slice %arg3[%dma_wait3A_138] : memref<100000xi32, #tpu.memory_space<hbm>> -> memref<100000xi32, #tpu.memory_space<hbm>>
      tpu.wait_indirect_dma semaphore(%arg12 : memref<!tpu.dma_semaphore, #tpu.memory_space<semaphore_mem>>) src(%dma_wait3A_139 : memref<100000xi32, #tpu.memory_space<hbm>>) dst(%dma_wait3A_136 : memref<64xi32, #tpu.memory_space<vmem>>)
      %dma_wait3A_140 = arith.constant 128 : i32
      %dma_wait3A_141 = tpu.memref_slice %arg8[%dma_wait3A_140] : memref<848xi32, #tpu.memory_space<vmem>> -> memref<64xi32, #tpu.memory_space<vmem>>
      %dma_wait3A_142 = tpu.memref_slice %arg7[%add3A_35] : memref<6656xi32, #tpu.memory_space<vmem>> -> memref<64xi32, #tpu.memory_space<vmem>>
      %dma_wait3A_143 = arith.constant 0 : i32
      %dma_wait3A_144 = tpu.memref_slice %arg3[%dma_wait3A_143] : memref<100000xi32, #tpu.memory_space<hbm>> -> memref<100000xi32, #tpu.memory_space<hbm>>
      tpu.wait_indirect_dma semaphore(%arg12 : memref<!tpu.dma_semaphore, #tpu.memory_space<semaphore_mem>>) src(%dma_wait3A_144 : memref<100000xi32, #tpu.memory_space<hbm>>) dst(%dma_wait3A_141 : memref<64xi32, #tpu.memory_space<vmem>>)
      %dma_wait3A_145 = arith.constant 192 : i32
      %dma_wait3A_146 = tpu.memref_slice %arg8[%dma_wait3A_145] : memref<848xi32, #tpu.memory_space<vmem>> -> memref<64xi32, #tpu.memory_space<vmem>>
      %dma_wait3A_147 = tpu.memref_slice %arg7[%add3A_44] : memref<6656xi32, #tpu.memory_space<vmem>> -> memref<64xi32, #tpu.memory_space<vmem>>
      %dma_wait3A_148 = arith.constant 0 : i32
      %dma_wait3A_149 = tpu.memref_slice %arg3[%dma_wait3A_148] : memref<100000xi32, #tpu.memory_space<hbm>> -> memref<100000xi32, #tpu.memory_space<hbm>>
      tpu.wait_indirect_dma semaphore(%arg12 : memref<!tpu.dma_semaphore, #tpu.memory_space<semaphore_mem>>) src(%dma_wait3A_149 : memref<100000xi32, #tpu.memory_space<hbm>>) dst(%dma_wait3A_146 : memref<64xi32, #tpu.memory_space<vmem>>)
      %dma_wait3A_150 = arith.constant 256 : i32
      %dma_wait3A_151 = tpu.memref_slice %arg8[%dma_wait3A_150] : memref<848xi32, #tpu.memory_space<vmem>> -> memref<64xi32, #tpu.memory_space<vmem>>
      %dma_wait3A_152 = tpu.memref_slice %arg7[%add3A_53] : memref<6656xi32, #tpu.memory_space<vmem>> -> memref<64xi32, #tpu.memory_space<vmem>>
      %dma_wait3A_153 = arith.constant 0 : i32
      %dma_wait3A_154 = tpu.memref_slice %arg3[%dma_wait3A_153] : memref<100000xi32, #tpu.memory_space<hbm>> -> memref<100000xi32, #tpu.memory_space<hbm>>
      tpu.wait_indirect_dma semaphore(%arg12 : memref<!tpu.dma_semaphore, #tpu.memory_space<semaphore_mem>>) src(%dma_wait3A_154 : memref<100000xi32, #tpu.memory_space<hbm>>) dst(%dma_wait3A_151 : memref<64xi32, #tpu.memory_space<vmem>>)
      %dma_wait3A_155 = arith.constant 320 : i32
      %dma_wait3A_156 = tpu.memref_slice %arg8[%dma_wait3A_155] : memref<848xi32, #tpu.memory_space<vmem>> -> memref<64xi32, #tpu.memory_space<vmem>>
      %dma_wait3A_157 = tpu.memref_slice %arg7[%add3A_62] : memref<6656xi32, #tpu.memory_space<vmem>> -> memref<64xi32, #tpu.memory_space<vmem>>
      %dma_wait3A_158 = arith.constant 0 : i32
      %dma_wait3A_159 = tpu.memref_slice %arg3[%dma_wait3A_158] : memref<100000xi32, #tpu.memory_space<hbm>> -> memref<100000xi32, #tpu.memory_space<hbm>>
      tpu.wait_indirect_dma semaphore(%arg12 : memref<!tpu.dma_semaphore, #tpu.memory_space<semaphore_mem>>) src(%dma_wait3A_159 : memref<100000xi32, #tpu.memory_space<hbm>>) dst(%dma_wait3A_156 : memref<64xi32, #tpu.memory_space<vmem>>)
      %dma_wait3A_160 = arith.constant 384 : i32
      %dma_wait3A_161 = tpu.memref_slice %arg8[%dma_wait3A_160] : memref<848xi32, #tpu.memory_space<vmem>> -> memref<64xi32, #tpu.memory_space<vmem>>
      %dma_wait3A_162 = tpu.memref_slice %arg7[%add3A_71] : memref<6656xi32, #tpu.memory_space<vmem>> -> memref<64xi32, #tpu.memory_space<vmem>>
      %dma_wait3A_163 = arith.constant 0 : i32
      %dma_wait3A_164 = tpu.memref_slice %arg3[%dma_wait3A_163] : memref<100000xi32, #tpu.memory_space<hbm>> -> memref<100000xi32, #tpu.memory_space<hbm>>
      tpu.wait_indirect_dma semaphore(%arg12 : memref<!tpu.dma_semaphore, #tpu.memory_space<semaphore_mem>>) src(%dma_wait3A_164 : memref<100000xi32, #tpu.memory_space<hbm>>) dst(%dma_wait3A_161 : memref<64xi32, #tpu.memory_space<vmem>>)
      %dma_wait3A_165 = arith.constant 448 : i32
      %dma_wait3A_166 = tpu.memref_slice %arg8[%dma_wait3A_165] : memref<848xi32, #tpu.memory_space<vmem>> -> memref<64xi32, #tpu.memory_space<vmem>>
      %dma_wait3A_167 = tpu.memref_slice %arg7[%add3A_80] : memref<6656xi32, #tpu.memory_space<vmem>> -> memref<64xi32, #tpu.memory_space<vmem>>
      %dma_wait3A_168 = arith.constant 0 : i32
      %dma_wait3A_169 = tpu.memref_slice %arg3[%dma_wait3A_168] : memref<100000xi32, #tpu.memory_space<hbm>> -> memref<100000xi32, #tpu.memory_space<hbm>>
      tpu.wait_indirect_dma semaphore(%arg12 : memref<!tpu.dma_semaphore, #tpu.memory_space<semaphore_mem>>) src(%dma_wait3A_169 : memref<100000xi32, #tpu.memory_space<hbm>>) dst(%dma_wait3A_166 : memref<64xi32, #tpu.memory_space<vmem>>)
      %dma_wait3A_170 = arith.constant 512 : i32
      %dma_wait3A_171 = tpu.memref_slice %arg8[%dma_wait3A_170] : memref<848xi32, #tpu.memory_space<vmem>> -> memref<64xi32, #tpu.memory_space<vmem>>
      %dma_wait3A_172 = tpu.memref_slice %arg7[%add3A_89] : memref<6656xi32, #tpu.memory_space<vmem>> -> memref<64xi32, #tpu.memory_space<vmem>>
      %dma_wait3A_173 = arith.constant 0 : i32
      %dma_wait3A_174 = tpu.memref_slice %arg3[%dma_wait3A_173] : memref<100000xi32, #tpu.memory_space<hbm>> -> memref<100000xi32, #tpu.memory_space<hbm>>
      tpu.wait_indirect_dma semaphore(%arg12 : memref<!tpu.dma_semaphore, #tpu.memory_space<semaphore_mem>>) src(%dma_wait3A_174 : memref<100000xi32, #tpu.memory_space<hbm>>) dst(%dma_wait3A_171 : memref<64xi32, #tpu.memory_space<vmem>>)
      %dma_wait3A_175 = arith.constant 576 : i32
      %dma_wait3A_176 = tpu.memref_slice %arg8[%dma_wait3A_175] : memref<848xi32, #tpu.memory_space<vmem>> -> memref<64xi32, #tpu.memory_space<vmem>>
      %dma_wait3A_177 = tpu.memref_slice %arg7[%add3A_98] : memref<6656xi32, #tpu.memory_space<vmem>> -> memref<64xi32, #tpu.memory_space<vmem>>
      %dma_wait3A_178 = arith.constant 0 : i32
      %dma_wait3A_179 = tpu.memref_slice %arg3[%dma_wait3A_178] : memref<100000xi32, #tpu.memory_space<hbm>> -> memref<100000xi32, #tpu.memory_space<hbm>>
      tpu.wait_indirect_dma semaphore(%arg12 : memref<!tpu.dma_semaphore, #tpu.memory_space<semaphore_mem>>) src(%dma_wait3A_179 : memref<100000xi32, #tpu.memory_space<hbm>>) dst(%dma_wait3A_176 : memref<64xi32, #tpu.memory_space<vmem>>)
      %dma_wait3A_180 = arith.constant 640 : i32
      %dma_wait3A_181 = tpu.memref_slice %arg8[%dma_wait3A_180] : memref<848xi32, #tpu.memory_space<vmem>> -> memref<64xi32, #tpu.memory_space<vmem>>
      %dma_wait3A_182 = tpu.memref_slice %arg7[%add3A_107] : memref<6656xi32, #tpu.memory_space<vmem>> -> memref<64xi32, #tpu.memory_space<vmem>>
      %dma_wait3A_183 = arith.constant 0 : i32
      %dma_wait3A_184 = tpu.memref_slice %arg3[%dma_wait3A_183] : memref<100000xi32, #tpu.memory_space<hbm>> -> memref<100000xi32, #tpu.memory_space<hbm>>
      tpu.wait_indirect_dma semaphore(%arg12 : memref<!tpu.dma_semaphore, #tpu.memory_space<semaphore_mem>>) src(%dma_wait3A_184 : memref<100000xi32, #tpu.memory_space<hbm>>) dst(%dma_wait3A_181 : memref<64xi32, #tpu.memory_space<vmem>>)
      %dma_wait3A_185 = arith.constant 704 : i32
      %dma_wait3A_186 = tpu.memref_slice %arg8[%dma_wait3A_185] : memref<848xi32, #tpu.memory_space<vmem>> -> memref<64xi32, #tpu.memory_space<vmem>>
      %dma_wait3A_187 = tpu.memref_slice %arg7[%add3A_116] : memref<6656xi32, #tpu.memory_space<vmem>> -> memref<64xi32, #tpu.memory_space<vmem>>
      %dma_wait3A_188 = arith.constant 0 : i32
      %dma_wait3A_189 = tpu.memref_slice %arg3[%dma_wait3A_188] : memref<100000xi32, #tpu.memory_space<hbm>> -> memref<100000xi32, #tpu.memory_space<hbm>>
      tpu.wait_indirect_dma semaphore(%arg12 : memref<!tpu.dma_semaphore, #tpu.memory_space<semaphore_mem>>) src(%dma_wait3A_189 : memref<100000xi32, #tpu.memory_space<hbm>>) dst(%dma_wait3A_186 : memref<64xi32, #tpu.memory_space<vmem>>)
      %dma_wait3A_190 = arith.constant 768 : i32
      %dma_wait3A_191 = tpu.memref_slice %arg8[%dma_wait3A_190] : memref<848xi32, #tpu.memory_space<vmem>> -> memref<64xi32, #tpu.memory_space<vmem>>
      %dma_wait3A_192 = tpu.memref_slice %arg7[%add3A_125] : memref<6656xi32, #tpu.memory_space<vmem>> -> memref<64xi32, #tpu.memory_space<vmem>>
      %dma_wait3A_193 = arith.constant 0 : i32
      %dma_wait3A_194 = tpu.memref_slice %arg3[%dma_wait3A_193] : memref<100000xi32, #tpu.memory_space<hbm>> -> memref<100000xi32, #tpu.memory_space<hbm>>
      tpu.wait_indirect_dma semaphore(%arg12 : memref<!tpu.dma_semaphore, #tpu.memory_space<semaphore_mem>>) src(%dma_wait3A_194 : memref<100000xi32, #tpu.memory_space<hbm>>) dst(%dma_wait3A_191 : memref<64xi32, #tpu.memory_space<vmem>>)
      %scan3A_195 = arith.constant 0 : i32
      %scan3A_196 = arith.constant 0 : i32
      %scan3A_197 = arith.constant 52 : i32
      %scan3A_198 = arith.addi %scan3A_196, %scan3A_197 : i32
      %scan3A_199 = arith.constant 1 : i32
      scf.for %scan3A_418 = %scan3A_196 to %scan3A_198 step %scan3A_199  : i32 {
        %mul3A_419 = arith.constant 16 : i32
        %mul3A_420 = arith.muli %scan3A_418, %mul3A_419 : i32
        %get3A = arith.index_cast %mul3A_420 : i32 to index
        %get3A_421 = tpu.vector_load %arg8[%get3A] {strides = array<i32>} : memref<848xi32, #tpu.memory_space<vmem>>, vector<16xi32>,
        %get3A_422 = vector.shape_cast %get3A_421 : vector<16xi32> to vector<16xi32>
        %shift_right_arithmetic3A = arith.constant 1 : i32
        %shift_right_arithmetic3A_423 = vector.broadcast %shift_right_arithmetic3A : i32 to vector<16xi32>
        %shift_right_arithmetic3A_424 = arith.shrsi %get3A_422, %shift_right_arithmetic3A_423 : vector<16xi32>
        %mul3A_425 = arith.constant 16 : i32
        %mul3A_426 = arith.muli %scan3A_418, %mul3A_425 : i32
        %swap3A = arith.index_cast %mul3A_426 : i32 to index
        %swap3A_427 = tpu.vector_load %arg9[%swap3A] {strides = array<i32>} : memref<832xi32, #tpu.memory_space<vmem>>, vector<16xi32>,
        %swap3A_428 = vector.shape_cast %swap3A_427 : vector<16xi32> to vector<16xi32>
        %swap3A_429 = vector.shape_cast %shift_right_arithmetic3A_424 : vector<16xi32> to vector<16xi32>
        tpu.vector_store %arg9[%swap3A], %swap3A_429 {strides = array<i32>} : memref<832xi32, #tpu.memory_space<vmem>>, vector<16xi32>,
      }
      %scan3A_200 = arith.constant 52 : i32
      %dma_start3A_201 = arith.constant 0 : i32
      %dma_start3A_202 = arith.constant 0 : i32
      %dma_start3A_203 = tpu.memref_slice %arg10[%dma_start3A_201, %dma_start3A_202] : memref<832x128xf32, #tpu.memory_space<vmem>> -> memref<64x128xf32, #tpu.memory_space<vmem>>
      %dma_start3A_204 = arith.constant 0 : i32
      %dma_start3A_205 = tpu.memref_slice %arg9[%dma_start3A_204] : memref<832xi32, #tpu.memory_space<vmem>> -> memref<64xi32, #tpu.memory_space<vmem>>
      %dma_start3A_206 = arith.constant 0 : i32
      %dma_start3A_207 = arith.constant 0 : i32
      %dma_start3A_208 = tpu.memref_slice %arg4[%dma_start3A_206, %dma_start3A_207] : memref<500000x128xf32, #tpu.memory_space<hbm>> -> memref<500000x128xf32, #tpu.memory_space<hbm>>
      tpu.enqueue_indirect_dma source(%dma_start3A_208 : memref<500000x128xf32, #tpu.memory_space<hbm>>) target(%dma_start3A_203 : memref<64x128xf32, #tpu.memory_space<vmem>>) offsets(%dma_start3A_205 : memref<64xi32, #tpu.memory_space<vmem>>) semaphore(%arg12 : memref<!tpu.dma_semaphore, #tpu.memory_space<semaphore_mem>>)
      %dma_start3A_209 = arith.constant 64 : i32
      %dma_start3A_210 = arith.constant 0 : i32
      %dma_start3A_211 = tpu.memref_slice %arg10[%dma_start3A_209, %dma_start3A_210] : memref<832x128xf32, #tpu.memory_space<vmem>> -> memref<64x128xf32, #tpu.memory_space<vmem>>
      %dma_start3A_212 = arith.constant 64 : i32
      %dma_start3A_213 = tpu.memref_slice %arg9[%dma_start3A_212] : memref<832xi32, #tpu.memory_space<vmem>> -> memref<64xi32, #tpu.memory_space<vmem>>
      %dma_start3A_214 = arith.constant 0 : i32
      %dma_start3A_215 = arith.constant 0 : i32
      %dma_start3A_216 = tpu.memref_slice %arg4[%dma_start3A_214, %dma_start3A_215] : memref<500000x128xf32, #tpu.memory_space<hbm>> -> memref<500000x128xf32, #tpu.memory_space<hbm>>
      tpu.enqueue_indirect_dma source(%dma_start3A_216 : memref<500000x128xf32, #tpu.memory_space<hbm>>) target(%dma_start3A_211 : memref<64x128xf32, #tpu.memory_space<vmem>>) offsets(%dma_start3A_213 : memref<64xi32, #tpu.memory_space<vmem>>) semaphore(%arg12 : memref<!tpu.dma_semaphore, #tpu.memory_space<semaphore_mem>>)
      %dma_start3A_217 = arith.constant 128 : i32
      %dma_start3A_218 = arith.constant 0 : i32
      %dma_start3A_219 = tpu.memref_slice %arg10[%dma_start3A_217, %dma_start3A_218] : memref<832x128xf32, #tpu.memory_space<vmem>> -> memref<64x128xf32, #tpu.memory_space<vmem>>
      %dma_start3A_220 = arith.constant 128 : i32
      %dma_start3A_221 = tpu.memref_slice %arg9[%dma_start3A_220] : memref<832xi32, #tpu.memory_space<vmem>> -> memref<64xi32, #tpu.memory_space<vmem>>
      %dma_start3A_222 = arith.constant 0 : i32
      %dma_start3A_223 = arith.constant 0 : i32
      %dma_start3A_224 = tpu.memref_slice %arg4[%dma_start3A_222, %dma_start3A_223] : memref<500000x128xf32, #tpu.memory_space<hbm>> -> memref<500000x128xf32, #tpu.memory_space<hbm>>
      tpu.enqueue_indirect_dma source(%dma_start3A_224 : memref<500000x128xf32, #tpu.memory_space<hbm>>) target(%dma_start3A_219 : memref<64x128xf32, #tpu.memory_space<vmem>>) offsets(%dma_start3A_221 : memref<64xi32, #tpu.memory_space<vmem>>) semaphore(%arg12 : memref<!tpu.dma_semaphore, #tpu.memory_space<semaphore_mem>>)
      %dma_start3A_225 = arith.constant 192 : i32
      %dma_start3A_226 = arith.constant 0 : i32
      %dma_start3A_227 = tpu.memref_slice %arg10[%dma_start3A_225, %dma_start3A_226] : memref<832x128xf32, #tpu.memory_space<vmem>> -> memref<64x128xf32, #tpu.memory_space<vmem>>
      %dma_start3A_228 = arith.constant 192 : i32
      %dma_start3A_229 = tpu.memref_slice %arg9[%dma_start3A_228] : memref<832xi32, #tpu.memory_space<vmem>> -> memref<64xi32, #tpu.memory_space<vmem>>
      %dma_start3A_230 = arith.constant 0 : i32
      %dma_start3A_231 = arith.constant 0 : i32
      %dma_start3A_232 = tpu.memref_slice %arg4[%dma_start3A_230, %dma_start3A_231] : memref<500000x128xf32, #tpu.memory_space<hbm>> -> memref<500000x128xf32, #tpu.memory_space<hbm>>
      tpu.enqueue_indirect_dma source(%dma_start3A_232 : memref<500000x128xf32, #tpu.memory_space<hbm>>) target(%dma_start3A_227 : memref<64x128xf32, #tpu.memory_space<vmem>>) offsets(%dma_start3A_229 : memref<64xi32, #tpu.memory_space<vmem>>) semaphore(%arg12 : memref<!tpu.dma_semaphore, #tpu.memory_space<semaphore_mem>>)
      %dma_start3A_233 = arith.constant 256 : i32
      %dma_start3A_234 = arith.constant 0 : i32
      %dma_start3A_235 = tpu.memref_slice %arg10[%dma_start3A_233, %dma_start3A_234] : memref<832x128xf32, #tpu.memory_space<vmem>> -> memref<64x128xf32, #tpu.memory_space<vmem>>
      %dma_start3A_236 = arith.constant 256 : i32
      %dma_start3A_237 = tpu.memref_slice %arg9[%dma_start3A_236] : memref<832xi32, #tpu.memory_space<vmem>> -> memref<64xi32, #tpu.memory_space<vmem>>
      %dma_start3A_238 = arith.constant 0 : i32
      %dma_start3A_239 = arith.constant 0 : i32
      %dma_start3A_240 = tpu.memref_slice %arg4[%dma_start3A_238, %dma_start3A_239] : memref<500000x128xf32, #tpu.memory_space<hbm>> -> memref<500000x128xf32, #tpu.memory_space<hbm>>
      tpu.enqueue_indirect_dma source(%dma_start3A_240 : memref<500000x128xf32, #tpu.memory_space<hbm>>) target(%dma_start3A_235 : memref<64x128xf32, #tpu.memory_space<vmem>>) offsets(%dma_start3A_237 : memref<64xi32, #tpu.memory_space<vmem>>) semaphore(%arg12 : memref<!tpu.dma_semaphore, #tpu.memory_space<semaphore_mem>>)
      %dma_start3A_241 = arith.constant 320 : i32
      %dma_start3A_242 = arith.constant 0 : i32
      %dma_start3A_243 = tpu.memref_slice %arg10[%dma_start3A_241, %dma_start3A_242] : memref<832x128xf32, #tpu.memory_space<vmem>> -> memref<64x128xf32, #tpu.memory_space<vmem>>
      %dma_start3A_244 = arith.constant 320 : i32
      %dma_start3A_245 = tpu.memref_slice %arg9[%dma_start3A_244] : memref<832xi32, #tpu.memory_space<vmem>> -> memref<64xi32, #tpu.memory_space<vmem>>
      %dma_start3A_246 = arith.constant 0 : i32
      %dma_start3A_247 = arith.constant 0 : i32
      %dma_start3A_248 = tpu.memref_slice %arg4[%dma_start3A_246, %dma_start3A_247] : memref<500000x128xf32, #tpu.memory_space<hbm>> -> memref<500000x128xf32, #tpu.memory_space<hbm>>
      tpu.enqueue_indirect_dma source(%dma_start3A_248 : memref<500000x128xf32, #tpu.memory_space<hbm>>) target(%dma_start3A_243 : memref<64x128xf32, #tpu.memory_space<vmem>>) offsets(%dma_start3A_245 : memref<64xi32, #tpu.memory_space<vmem>>) semaphore(%arg12 : memref<!tpu.dma_semaphore, #tpu.memory_space<semaphore_mem>>)
      %dma_start3A_249 = arith.constant 384 : i32
      %dma_start3A_250 = arith.constant 0 : i32
      %dma_start3A_251 = tpu.memref_slice %arg10[%dma_start3A_249, %dma_start3A_250] : memref<832x128xf32, #tpu.memory_space<vmem>> -> memref<64x128xf32, #tpu.memory_space<vmem>>
      %dma_start3A_252 = arith.constant 384 : i32
      %dma_start3A_253 = tpu.memref_slice %arg9[%dma_start3A_252] : memref<832xi32, #tpu.memory_space<vmem>> -> memref<64xi32, #tpu.memory_space<vmem>>
      %dma_start3A_254 = arith.constant 0 : i32
      %dma_start3A_255 = arith.constant 0 : i32
      %dma_start3A_256 = tpu.memref_slice %arg4[%dma_start3A_254, %dma_start3A_255] : memref<500000x128xf32, #tpu.memory_space<hbm>> -> memref<500000x128xf32, #tpu.memory_space<hbm>>
      tpu.enqueue_indirect_dma source(%dma_start3A_256 : memref<500000x128xf32, #tpu.memory_space<hbm>>) target(%dma_start3A_251 : memref<64x128xf32, #tpu.memory_space<vmem>>) offsets(%dma_start3A_253 : memref<64xi32, #tpu.memory_space<vmem>>) semaphore(%arg12 : memref<!tpu.dma_semaphore, #tpu.memory_space<semaphore_mem>>)
      %dma_start3A_257 = arith.constant 448 : i32
      %dma_start3A_258 = arith.constant 0 : i32
      %dma_start3A_259 = tpu.memref_slice %arg10[%dma_start3A_257, %dma_start3A_258] : memref<832x128xf32, #tpu.memory_space<vmem>> -> memref<64x128xf32, #tpu.memory_space<vmem>>
      %dma_start3A_260 = arith.constant 448 : i32
      %dma_start3A_261 = tpu.memref_slice %arg9[%dma_start3A_260] : memref<832xi32, #tpu.memory_space<vmem>> -> memref<64xi32, #tpu.memory_space<vmem>>
      %dma_start3A_262 = arith.constant 0 : i32
      %dma_start3A_263 = arith.constant 0 : i32
      %dma_start3A_264 = tpu.memref_slice %arg4[%dma_start3A_262, %dma_start3A_263] : memref<500000x128xf32, #tpu.memory_space<hbm>> -> memref<500000x128xf32, #tpu.memory_space<hbm>>
      tpu.enqueue_indirect_dma source(%dma_start3A_264 : memref<500000x128xf32, #tpu.memory_space<hbm>>) target(%dma_start3A_259 : memref<64x128xf32, #tpu.memory_space<vmem>>) offsets(%dma_start3A_261 : memref<64xi32, #tpu.memory_space<vmem>>) semaphore(%arg12 : memref<!tpu.dma_semaphore, #tpu.memory_space<semaphore_mem>>)
      %dma_start3A_265 = arith.constant 512 : i32
      %dma_start3A_266 = arith.constant 0 : i32
      %dma_start3A_267 = tpu.memref_slice %arg10[%dma_start3A_265, %dma_start3A_266] : memref<832x128xf32, #tpu.memory_space<vmem>> -> memref<64x128xf32, #tpu.memory_space<vmem>>
      %dma_start3A_268 = arith.constant 512 : i32
      %dma_start3A_269 = tpu.memref_slice %arg9[%dma_start3A_268] : memref<832xi32, #tpu.memory_space<vmem>> -> memref<64xi32, #tpu.memory_space<vmem>>
      %dma_start3A_270 = arith.constant 0 : i32
      %dma_start3A_271 = arith.constant 0 : i32
      %dma_start3A_272 = tpu.memref_slice %arg4[%dma_start3A_270, %dma_start3A_271] : memref<500000x128xf32, #tpu.memory_space<hbm>> -> memref<500000x128xf32, #tpu.memory_space<hbm>>
      tpu.enqueue_indirect_dma source(%dma_start3A_272 : memref<500000x128xf32, #tpu.memory_space<hbm>>) target(%dma_start3A_267 : memref<64x128xf32, #tpu.memory_space<vmem>>) offsets(%dma_start3A_269 : memref<64xi32, #tpu.memory_space<vmem>>) semaphore(%arg12 : memref<!tpu.dma_semaphore, #tpu.memory_space<semaphore_mem>>)
      %dma_start3A_273 = arith.constant 576 : i32
      %dma_start3A_274 = arith.constant 0 : i32
      %dma_start3A_275 = tpu.memref_slice %arg10[%dma_start3A_273, %dma_start3A_274] : memref<832x128xf32, #tpu.memory_space<vmem>> -> memref<64x128xf32, #tpu.memory_space<vmem>>
      %dma_start3A_276 = arith.constant 576 : i32
      %dma_start3A_277 = tpu.memref_slice %arg9[%dma_start3A_276] : memref<832xi32, #tpu.memory_space<vmem>> -> memref<64xi32, #tpu.memory_space<vmem>>
      %dma_start3A_278 = arith.constant 0 : i32
      %dma_start3A_279 = arith.constant 0 : i32
      %dma_start3A_280 = tpu.memref_slice %arg4[%dma_start3A_278, %dma_start3A_279] : memref<500000x128xf32, #tpu.memory_space<hbm>> -> memref<500000x128xf32, #tpu.memory_space<hbm>>
      tpu.enqueue_indirect_dma source(%dma_start3A_280 : memref<500000x128xf32, #tpu.memory_space<hbm>>) target(%dma_start3A_275 : memref<64x128xf32, #tpu.memory_space<vmem>>) offsets(%dma_start3A_277 : memref<64xi32, #tpu.memory_space<vmem>>) semaphore(%arg12 : memref<!tpu.dma_semaphore, #tpu.memory_space<semaphore_mem>>)
      %dma_start3A_281 = arith.constant 640 : i32
      %dma_start3A_282 = arith.constant 0 : i32
      %dma_start3A_283 = tpu.memref_slice %arg10[%dma_start3A_281, %dma_start3A_282] : memref<832x128xf32, #tpu.memory_space<vmem>> -> memref<64x128xf32, #tpu.memory_space<vmem>>
      %dma_start3A_284 = arith.constant 640 : i32
      %dma_start3A_285 = tpu.memref_slice %arg9[%dma_start3A_284] : memref<832xi32, #tpu.memory_space<vmem>> -> memref<64xi32, #tpu.memory_space<vmem>>
      %dma_start3A_286 = arith.constant 0 : i32
      %dma_start3A_287 = arith.constant 0 : i32
      %dma_start3A_288 = tpu.memref_slice %arg4[%dma_start3A_286, %dma_start3A_287] : memref<500000x128xf32, #tpu.memory_space<hbm>> -> memref<500000x128xf32, #tpu.memory_space<hbm>>
      tpu.enqueue_indirect_dma source(%dma_start3A_288 : memref<500000x128xf32, #tpu.memory_space<hbm>>) target(%dma_start3A_283 : memref<64x128xf32, #tpu.memory_space<vmem>>) offsets(%dma_start3A_285 : memref<64xi32, #tpu.memory_space<vmem>>) semaphore(%arg12 : memref<!tpu.dma_semaphore, #tpu.memory_space<semaphore_mem>>)
      %dma_start3A_289 = arith.constant 704 : i32
      %dma_start3A_290 = arith.constant 0 : i32
      %dma_start3A_291 = tpu.memref_slice %arg10[%dma_start3A_289, %dma_start3A_290] : memref<832x128xf32, #tpu.memory_space<vmem>> -> memref<64x128xf32, #tpu.memory_space<vmem>>
      %dma_start3A_292 = arith.constant 704 : i32
      %dma_start3A_293 = tpu.memref_slice %arg9[%dma_start3A_292] : memref<832xi32, #tpu.memory_space<vmem>> -> memref<64xi32, #tpu.memory_space<vmem>>
      %dma_start3A_294 = arith.constant 0 : i32
      %dma_start3A_295 = arith.constant 0 : i32
      %dma_start3A_296 = tpu.memref_slice %arg4[%dma_start3A_294, %dma_start3A_295] : memref<500000x128xf32, #tpu.memory_space<hbm>> -> memref<500000x128xf32, #tpu.memory_space<hbm>>
      tpu.enqueue_indirect_dma source(%dma_start3A_296 : memref<500000x128xf32, #tpu.memory_space<hbm>>) target(%dma_start3A_291 : memref<64x128xf32, #tpu.memory_space<vmem>>) offsets(%dma_start3A_293 : memref<64xi32, #tpu.memory_space<vmem>>) semaphore(%arg12 : memref<!tpu.dma_semaphore, #tpu.memory_space<semaphore_mem>>)
      %dma_start3A_297 = arith.constant 768 : i32
      %dma_start3A_298 = arith.constant 0 : i32
      %dma_start3A_299 = tpu.memref_slice %arg10[%dma_start3A_297, %dma_start3A_298] : memref<832x128xf32, #tpu.memory_space<vmem>> -> memref<64x128xf32, #tpu.memory_space<vmem>>
      %dma_start3A_300 = arith.constant 768 : i32
      %dma_start3A_301 = tpu.memref_slice %arg9[%dma_start3A_300] : memref<832xi32, #tpu.memory_space<vmem>> -> memref<64xi32, #tpu.memory_space<vmem>>
      %dma_start3A_302 = arith.constant 0 : i32
      %dma_start3A_303 = arith.constant 0 : i32
      %dma_start3A_304 = tpu.memref_slice %arg4[%dma_start3A_302, %dma_start3A_303] : memref<500000x128xf32, #tpu.memory_space<hbm>> -> memref<500000x128xf32, #tpu.memory_space<hbm>>
      tpu.enqueue_indirect_dma source(%dma_start3A_304 : memref<500000x128xf32, #tpu.memory_space<hbm>>) target(%dma_start3A_299 : memref<64x128xf32, #tpu.memory_space<vmem>>) offsets(%dma_start3A_301 : memref<64xi32, #tpu.memory_space<vmem>>) semaphore(%arg12 : memref<!tpu.dma_semaphore, #tpu.memory_space<semaphore_mem>>)
      %dma_wait3A_305 = arith.constant 0 : i32
      %dma_wait3A_306 = arith.constant 0 : i32
      %dma_wait3A_307 = tpu.memref_slice %arg10[%dma_wait3A_305, %dma_wait3A_306] : memref<832x128xf32, #tpu.memory_space<vmem>> -> memref<64x128xf32, #tpu.memory_space<vmem>>
      %dma_wait3A_308 = arith.constant 0 : i32
      %dma_wait3A_309 = tpu.memref_slice %arg9[%dma_wait3A_308] : memref<832xi32, #tpu.memory_space<vmem>> -> memref<64xi32, #tpu.memory_space<vmem>>
      %dma_wait3A_310 = arith.constant 0 : i32
      %dma_wait3A_311 = arith.constant 0 : i32
      %dma_wait3A_312 = tpu.memref_slice %arg4[%dma_wait3A_310, %dma_wait3A_311] : memref<500000x128xf32, #tpu.memory_space<hbm>> -> memref<500000x128xf32, #tpu.memory_space<hbm>>
      tpu.wait_indirect_dma semaphore(%arg12 : memref<!tpu.dma_semaphore, #tpu.memory_space<semaphore_mem>>) src(%dma_wait3A_312 : memref<500000x128xf32, #tpu.memory_space<hbm>>) dst(%dma_wait3A_307 : memref<64x128xf32, #tpu.memory_space<vmem>>)
      %dma_wait3A_313 = arith.constant 64 : i32
      %dma_wait3A_314 = arith.constant 0 : i32
      %dma_wait3A_315 = tpu.memref_slice %arg10[%dma_wait3A_313, %dma_wait3A_314] : memref<832x128xf32, #tpu.memory_space<vmem>> -> memref<64x128xf32, #tpu.memory_space<vmem>>
      %dma_wait3A_316 = arith.constant 64 : i32
      %dma_wait3A_317 = tpu.memref_slice %arg9[%dma_wait3A_316] : memref<832xi32, #tpu.memory_space<vmem>> -> memref<64xi32, #tpu.memory_space<vmem>>
      %dma_wait3A_318 = arith.constant 0 : i32
      %dma_wait3A_319 = arith.constant 0 : i32
      %dma_wait3A_320 = tpu.memref_slice %arg4[%dma_wait3A_318, %dma_wait3A_319] : memref<500000x128xf32, #tpu.memory_space<hbm>> -> memref<500000x128xf32, #tpu.memory_space<hbm>>
      tpu.wait_indirect_dma semaphore(%arg12 : memref<!tpu.dma_semaphore, #tpu.memory_space<semaphore_mem>>) src(%dma_wait3A_320 : memref<500000x128xf32, #tpu.memory_space<hbm>>) dst(%dma_wait3A_315 : memref<64x128xf32, #tpu.memory_space<vmem>>)
      %dma_wait3A_321 = arith.constant 128 : i32
      %dma_wait3A_322 = arith.constant 0 : i32
      %dma_wait3A_323 = tpu.memref_slice %arg10[%dma_wait3A_321, %dma_wait3A_322] : memref<832x128xf32, #tpu.memory_space<vmem>> -> memref<64x128xf32, #tpu.memory_space<vmem>>
      %dma_wait3A_324 = arith.constant 128 : i32
      %dma_wait3A_325 = tpu.memref_slice %arg9[%dma_wait3A_324] : memref<832xi32, #tpu.memory_space<vmem>> -> memref<64xi32, #tpu.memory_space<vmem>>
      %dma_wait3A_326 = arith.constant 0 : i32
      %dma_wait3A_327 = arith.constant 0 : i32
      %dma_wait3A_328 = tpu.memref_slice %arg4[%dma_wait3A_326, %dma_wait3A_327] : memref<500000x128xf32, #tpu.memory_space<hbm>> -> memref<500000x128xf32, #tpu.memory_space<hbm>>
      tpu.wait_indirect_dma semaphore(%arg12 : memref<!tpu.dma_semaphore, #tpu.memory_space<semaphore_mem>>) src(%dma_wait3A_328 : memref<500000x128xf32, #tpu.memory_space<hbm>>) dst(%dma_wait3A_323 : memref<64x128xf32, #tpu.memory_space<vmem>>)
      %dma_wait3A_329 = arith.constant 192 : i32
      %dma_wait3A_330 = arith.constant 0 : i32
      %dma_wait3A_331 = tpu.memref_slice %arg10[%dma_wait3A_329, %dma_wait3A_330] : memref<832x128xf32, #tpu.memory_space<vmem>> -> memref<64x128xf32, #tpu.memory_space<vmem>>
      %dma_wait3A_332 = arith.constant 192 : i32
      %dma_wait3A_333 = tpu.memref_slice %arg9[%dma_wait3A_332] : memref<832xi32, #tpu.memory_space<vmem>> -> memref<64xi32, #tpu.memory_space<vmem>>
      %dma_wait3A_334 = arith.constant 0 : i32
      %dma_wait3A_335 = arith.constant 0 : i32
      %dma_wait3A_336 = tpu.memref_slice %arg4[%dma_wait3A_334, %dma_wait3A_335] : memref<500000x128xf32, #tpu.memory_space<hbm>> -> memref<500000x128xf32, #tpu.memory_space<hbm>>
      tpu.wait_indirect_dma semaphore(%arg12 : memref<!tpu.dma_semaphore, #tpu.memory_space<semaphore_mem>>) src(%dma_wait3A_336 : memref<500000x128xf32, #tpu.memory_space<hbm>>) dst(%dma_wait3A_331 : memref<64x128xf32, #tpu.memory_space<vmem>>)
      %dma_wait3A_337 = arith.constant 256 : i32
      %dma_wait3A_338 = arith.constant 0 : i32
      %dma_wait3A_339 = tpu.memref_slice %arg10[%dma_wait3A_337, %dma_wait3A_338] : memref<832x128xf32, #tpu.memory_space<vmem>> -> memref<64x128xf32, #tpu.memory_space<vmem>>
      %dma_wait3A_340 = arith.constant 256 : i32
      %dma_wait3A_341 = tpu.memref_slice %arg9[%dma_wait3A_340] : memref<832xi32, #tpu.memory_space<vmem>> -> memref<64xi32, #tpu.memory_space<vmem>>
      %dma_wait3A_342 = arith.constant 0 : i32
      %dma_wait3A_343 = arith.constant 0 : i32
      %dma_wait3A_344 = tpu.memref_slice %arg4[%dma_wait3A_342, %dma_wait3A_343] : memref<500000x128xf32, #tpu.memory_space<hbm>> -> memref<500000x128xf32, #tpu.memory_space<hbm>>
      tpu.wait_indirect_dma semaphore(%arg12 : memref<!tpu.dma_semaphore, #tpu.memory_space<semaphore_mem>>) src(%dma_wait3A_344 : memref<500000x128xf32, #tpu.memory_space<hbm>>) dst(%dma_wait3A_339 : memref<64x128xf32, #tpu.memory_space<vmem>>)
      %dma_wait3A_345 = arith.constant 320 : i32
      %dma_wait3A_346 = arith.constant 0 : i32
      %dma_wait3A_347 = tpu.memref_slice %arg10[%dma_wait3A_345, %dma_wait3A_346] : memref<832x128xf32, #tpu.memory_space<vmem>> -> memref<64x128xf32, #tpu.memory_space<vmem>>
      %dma_wait3A_348 = arith.constant 320 : i32
      %dma_wait3A_349 = tpu.memref_slice %arg9[%dma_wait3A_348] : memref<832xi32, #tpu.memory_space<vmem>> -> memref<64xi32, #tpu.memory_space<vmem>>
      %dma_wait3A_350 = arith.constant 0 : i32
      %dma_wait3A_351 = arith.constant 0 : i32
      %dma_wait3A_352 = tpu.memref_slice %arg4[%dma_wait3A_350, %dma_wait3A_351] : memref<500000x128xf32, #tpu.memory_space<hbm>> -> memref<500000x128xf32, #tpu.memory_space<hbm>>
      tpu.wait_indirect_dma semaphore(%arg12 : memref<!tpu.dma_semaphore, #tpu.memory_space<semaphore_mem>>) src(%dma_wait3A_352 : memref<500000x128xf32, #tpu.memory_space<hbm>>) dst(%dma_wait3A_347 : memref<64x128xf32, #tpu.memory_space<vmem>>)
      %dma_wait3A_353 = arith.constant 384 : i32
      %dma_wait3A_354 = arith.constant 0 : i32
      %dma_wait3A_355 = tpu.memref_slice %arg10[%dma_wait3A_353, %dma_wait3A_354] : memref<832x128xf32, #tpu.memory_space<vmem>> -> memref<64x128xf32, #tpu.memory_space<vmem>>
      %dma_wait3A_356 = arith.constant 384 : i32
      %dma_wait3A_357 = tpu.memref_slice %arg9[%dma_wait3A_356] : memref<832xi32, #tpu.memory_space<vmem>> -> memref<64xi32, #tpu.memory_space<vmem>>
      %dma_wait3A_358 = arith.constant 0 : i32
      %dma_wait3A_359 = arith.constant 0 : i32
      %dma_wait3A_360 = tpu.memref_slice %arg4[%dma_wait3A_358, %dma_wait3A_359] : memref<500000x128xf32, #tpu.memory_space<hbm>> -> memref<500000x128xf32, #tpu.memory_space<hbm>>
      tpu.wait_indirect_dma semaphore(%arg12 : memref<!tpu.dma_semaphore, #tpu.memory_space<semaphore_mem>>) src(%dma_wait3A_360 : memref<500000x128xf32, #tpu.memory_space<hbm>>) dst(%dma_wait3A_355 : memref<64x128xf32, #tpu.memory_space<vmem>>)
      %dma_wait3A_361 = arith.constant 448 : i32
      %dma_wait3A_362 = arith.constant 0 : i32
      %dma_wait3A_363 = tpu.memref_slice %arg10[%dma_wait3A_361, %dma_wait3A_362] : memref<832x128xf32, #tpu.memory_space<vmem>> -> memref<64x128xf32, #tpu.memory_space<vmem>>
      %dma_wait3A_364 = arith.constant 448 : i32
      %dma_wait3A_365 = tpu.memref_slice %arg9[%dma_wait3A_364] : memref<832xi32, #tpu.memory_space<vmem>> -> memref<64xi32, #tpu.memory_space<vmem>>
      %dma_wait3A_366 = arith.constant 0 : i32
      %dma_wait3A_367 = arith.constant 0 : i32
      %dma_wait3A_368 = tpu.memref_slice %arg4[%dma_wait3A_366, %dma_wait3A_367] : memref<500000x128xf32, #tpu.memory_space<hbm>> -> memref<500000x128xf32, #tpu.memory_space<hbm>>
      tpu.wait_indirect_dma semaphore(%arg12 : memref<!tpu.dma_semaphore, #tpu.memory_space<semaphore_mem>>) src(%dma_wait3A_368 : memref<500000x128xf32, #tpu.memory_space<hbm>>) dst(%dma_wait3A_363 : memref<64x128xf32, #tpu.memory_space<vmem>>)
      %dma_wait3A_369 = arith.constant 512 : i32
      %dma_wait3A_370 = arith.constant 0 : i32
      %dma_wait3A_371 = tpu.memref_slice %arg10[%dma_wait3A_369, %dma_wait3A_370] : memref<832x128xf32, #tpu.memory_space<vmem>> -> memref<64x128xf32, #tpu.memory_space<vmem>>
      %dma_wait3A_372 = arith.constant 512 : i32
      %dma_wait3A_373 = tpu.memref_slice %arg9[%dma_wait3A_372] : memref<832xi32, #tpu.memory_space<vmem>> -> memref<64xi32, #tpu.memory_space<vmem>>
      %dma_wait3A_374 = arith.constant 0 : i32
      %dma_wait3A_375 = arith.constant 0 : i32
      %dma_wait3A_376 = tpu.memref_slice %arg4[%dma_wait3A_374, %dma_wait3A_375] : memref<500000x128xf32, #tpu.memory_space<hbm>> -> memref<500000x128xf32, #tpu.memory_space<hbm>>
      tpu.wait_indirect_dma semaphore(%arg12 : memref<!tpu.dma_semaphore, #tpu.memory_space<semaphore_mem>>) src(%dma_wait3A_376 : memref<500000x128xf32, #tpu.memory_space<hbm>>) dst(%dma_wait3A_371 : memref<64x128xf32, #tpu.memory_space<vmem>>)
      %dma_wait3A_377 = arith.constant 576 : i32
      %dma_wait3A_378 = arith.constant 0 : i32
      %dma_wait3A_379 = tpu.memref_slice %arg10[%dma_wait3A_377, %dma_wait3A_378] : memref<832x128xf32, #tpu.memory_space<vmem>> -> memref<64x128xf32, #tpu.memory_space<vmem>>
      %dma_wait3A_380 = arith.constant 576 : i32
      %dma_wait3A_381 = tpu.memref_slice %arg9[%dma_wait3A_380] : memref<832xi32, #tpu.memory_space<vmem>> -> memref<64xi32, #tpu.memory_space<vmem>>
      %dma_wait3A_382 = arith.constant 0 : i32
      %dma_wait3A_383 = arith.constant 0 : i32
      %dma_wait3A_384 = tpu.memref_slice %arg4[%dma_wait3A_382, %dma_wait3A_383] : memref<500000x128xf32, #tpu.memory_space<hbm>> -> memref<500000x128xf32, #tpu.memory_space<hbm>>
      tpu.wait_indirect_dma semaphore(%arg12 : memref<!tpu.dma_semaphore, #tpu.memory_space<semaphore_mem>>) src(%dma_wait3A_384 : memref<500000x128xf32, #tpu.memory_space<hbm>>) dst(%dma_wait3A_379 : memref<64x128xf32, #tpu.memory_space<vmem>>)
      %dma_wait3A_385 = arith.constant 640 : i32
      %dma_wait3A_386 = arith.constant 0 : i32
      %dma_wait3A_387 = tpu.memref_slice %arg10[%dma_wait3A_385, %dma_wait3A_386] : memref<832x128xf32, #tpu.memory_space<vmem>> -> memref<64x128xf32, #tpu.memory_space<vmem>>
      %dma_wait3A_388 = arith.constant 640 : i32
      %dma_wait3A_389 = tpu.memref_slice %arg9[%dma_wait3A_388] : memref<832xi32, #tpu.memory_space<vmem>> -> memref<64xi32, #tpu.memory_space<vmem>>
      %dma_wait3A_390 = arith.constant 0 : i32
      %dma_wait3A_391 = arith.constant 0 : i32
      %dma_wait3A_392 = tpu.memref_slice %arg4[%dma_wait3A_390, %dma_wait3A_391] : memref<500000x128xf32, #tpu.memory_space<hbm>> -> memref<500000x128xf32, #tpu.memory_space<hbm>>
      tpu.wait_indirect_dma semaphore(%arg12 : memref<!tpu.dma_semaphore, #tpu.memory_space<semaphore_mem>>) src(%dma_wait3A_392 : memref<500000x128xf32, #tpu.memory_space<hbm>>) dst(%dma_wait3A_387 : memref<64x128xf32, #tpu.memory_space<vmem>>)
      %dma_wait3A_393 = arith.constant 704 : i32
      %dma_wait3A_394 = arith.constant 0 : i32
      %dma_wait3A_395 = tpu.memref_slice %arg10[%dma_wait3A_393, %dma_wait3A_394] : memref<832x128xf32, #tpu.memory_space<vmem>> -> memref<64x128xf32, #tpu.memory_space<vmem>>
      %dma_wait3A_396 = arith.constant 704 : i32
      %dma_wait3A_397 = tpu.memref_slice %arg9[%dma_wait3A_396] : memref<832xi32, #tpu.memory_space<vmem>> -> memref<64xi32, #tpu.memory_space<vmem>>
      %dma_wait3A_398 = arith.constant 0 : i32
      %dma_wait3A_399 = arith.constant 0 : i32
      %dma_wait3A_400 = tpu.memref_slice %arg4[%dma_wait3A_398, %dma_wait3A_399] : memref<500000x128xf32, #tpu.memory_space<hbm>> -> memref<500000x128xf32, #tpu.memory_space<hbm>>
      tpu.wait_indirect_dma semaphore(%arg12 : memref<!tpu.dma_semaphore, #tpu.memory_space<semaphore_mem>>) src(%dma_wait3A_400 : memref<500000x128xf32, #tpu.memory_space<hbm>>) dst(%dma_wait3A_395 : memref<64x128xf32, #tpu.memory_space<vmem>>)
      %dma_wait3A_401 = arith.constant 768 : i32
      %dma_wait3A_402 = arith.constant 0 : i32
      %dma_wait3A_403 = tpu.memref_slice %arg10[%dma_wait3A_401, %dma_wait3A_402] : memref<832x128xf32, #tpu.memory_space<vmem>> -> memref<64x128xf32, #tpu.memory_space<vmem>>
      %dma_wait3A_404 = arith.constant 768 : i32
      %dma_wait3A_405 = tpu.memref_slice %arg9[%dma_wait3A_404] : memref<832xi32, #tpu.memory_space<vmem>> -> memref<64xi32, #tpu.memory_space<vmem>>
      %dma_wait3A_406 = arith.constant 0 : i32
      %dma_wait3A_407 = arith.constant 0 : i32
      %dma_wait3A_408 = tpu.memref_slice %arg4[%dma_wait3A_406, %dma_wait3A_407] : memref<500000x128xf32, #tpu.memory_space<hbm>> -> memref<500000x128xf32, #tpu.memory_space<hbm>>
      tpu.wait_indirect_dma semaphore(%arg12 : memref<!tpu.dma_semaphore, #tpu.memory_space<semaphore_mem>>) src(%dma_wait3A_408 : memref<500000x128xf32, #tpu.memory_space<hbm>>) dst(%dma_wait3A_403 : memref<64x128xf32, #tpu.memory_space<vmem>>)
      %scan3A_409 = arith.constant 0 : i32
      %scan3A_410 = arith.constant 0 : i32
      %scan3A_411 = arith.constant 64 : i32
      %scan3A_412 = arith.addi %scan3A_410, %scan3A_411 : i32
      %scan3A_413 = arith.constant 1 : i32
      scf.for %scan3A_418 = %scan3A_410 to %scan3A_412 step %scan3A_413  : i32 {
        %mul3A_419 = arith.constant 64 : i32
        %mul3A_420 = arith.muli %scan3A_14, %mul3A_419 : i32
        %add3A_421 = arith.addi %mul3A_420, %scan3A_418 : i32
        %get3A = arith.index_cast %add3A_421 : i32 to index
        %get3A_422 = tpu.vector_load %arg6[%get3A] {strides = array<i32>} : memref<528xf32, #tpu.memory_space<vmem>>, vector<16xf32>,
        %get3A_423 = vector.shape_cast %get3A_422 : vector<16xf32> to vector<16xf32>
        %slice3A = vector.extract_strided_slice %get3A_423 {offsets = [0], sizes = [1], strides = [1]} : vector<16xf32> to vector<1xf32>
        %squeeze3A = vector.extract %slice3A[0] : f32 from vector<1xf32>
        %broadcast_in_dim3A = vector.broadcast %squeeze3A : f32 to vector<16xf32>
        %convert_element_type3A = arith.fptosi %broadcast_in_dim3A : vector<16xf32> to vector<16xi32>
        %convert_element_type3A_424 = arith.sitofp %convert_element_type3A : vector<16xi32> to vector<16xf32>
        %broadcast_in_dim3A_425 = arith.constant 0.000000e+00 : f32
        %broadcast_in_dim3A_426 = vector.broadcast %broadcast_in_dim3A_425 : f32 to vector<16xf32>
        %broadcast_in_dim3A_427 = arith.constant 0.000000e+00 : f32
        %broadcast_in_dim3A_428 = vector.broadcast %broadcast_in_dim3A_427 : f32 to vector<16xf32>
        %broadcast_in_dim3A_429 = arith.constant 0.000000e+00 : f32
        %broadcast_in_dim3A_430 = vector.broadcast %broadcast_in_dim3A_429 : f32 to vector<16xf32>
        %broadcast_in_dim3A_431 = arith.constant 0.000000e+00 : f32
        %broadcast_in_dim3A_432 = vector.broadcast %broadcast_in_dim3A_431 : f32 to vector<16xf32>
        %broadcast_in_dim3A_433 = arith.constant 0.000000e+00 : f32
        %broadcast_in_dim3A_434 = vector.broadcast %broadcast_in_dim3A_433 : f32 to vector<16xf32>
        %add3A_435 = arith.constant -6 : i32
        %add3A_436 = vector.broadcast %add3A_435 : i32 to vector<16xi32>
        %add3A_437 = arith.addi %convert_element_type3A, %add3A_436 : vector<16xi32>
        %ge3A = arith.constant 0 : i32
        %ge3A_438 = vector.broadcast %ge3A : i32 to vector<16xi32>
        %ge3A_439 = arith.cmpi sge, %add3A_437, %ge3A_438 : vector<16xi32>
        %lt3A = arith.constant 100000 : i32
        %lt3A_440 = vector.broadcast %lt3A : i32 to vector<16xi32>
        %lt3A_441 = arith.cmpi slt, %add3A_437, %lt3A_440 : vector<16xi32>
        %and3A = arith.andi %ge3A_439, %lt3A_441 : vector<16xi1>
        %jit3A = arith.constant 1.000000e+00 : f32
        %jit3A_442 = arith.constant 0.000000e+00 : f32
        %broadcast_in_dim3A_443 = vector.broadcast %jit3A : f32 to vector<16xf32>
        %broadcast_in_dim3A_444 = vector.broadcast %jit3A_442 : f32 to vector<16xf32>
        %select_n3A = arith.select %and3A, %broadcast_in_dim3A_443, %broadcast_in_dim3A_444 : vector<16xi1>, vector<16xf32>
        %add3A_445 = arith.constant -6.000000e+00 : f32
        %add3A_446 = vector.broadcast %add3A_445 : f32 to vector<16xf32>
        %add3A_447 = arith.addf %convert_element_type3A_424, %add3A_446 : vector<16xf32>
        %sub3A = arith.subf %add3A_447, %broadcast_in_dim3A : vector<16xf32>
        %mul3A_448 = arith.constant 5.000000e-01 : f32
        %mul3A_449 = vector.broadcast %mul3A_448 : f32 to vector<16xf32>
        %mul3A_450 = arith.mulf %sub3A, %mul3A_449 : vector<16xf32>
        %mul3A_451 = arith.constant -5.000000e-01 : f32
        %mul3A_452 = vector.broadcast %mul3A_451 : f32 to vector<16xf32>
        %mul3A_453 = arith.mulf %mul3A_452, %mul3A_450 : vector<16xf32>
        %mul3A_454 = arith.mulf %mul3A_453, %mul3A_450 : vector<16xf32>
        %exp3A = math.exp %mul3A_454 : vector<16xf32>
        %mul3A_455 = arith.mulf %exp3A, %select_n3A : vector<16xf32>
        %add3A_456 = arith.addf %broadcast_in_dim3A_434, %mul3A_455 : vector<16xf32>
        %add3A_457 = arith.constant 0 : i32
        %add3A_458 = arith.addi %add3A_457, %scan3A_418 : i32
        %get3A_459 = arith.index_cast %add3A_458 : i32 to index
        %get3A_460 = tpu.vector_load %arg8[%get3A_459] {strides = array<i32>} : memref<848xi32, #tpu.memory_space<vmem>>, vector<16xi32>,
        %get3A_461 = vector.shape_cast %get3A_460 : vector<16xi32> to vector<16xi32>
        %slice3A_462 = vector.extract_strided_slice %get3A_461 {offsets = [0], sizes = [1], strides = [1]} : vector<16xi32> to vector<1xi32>
        %squeeze3A_463 = vector.extract %slice3A_462[0] : i32 from vector<1xi32>
        %and3A_464 = arith.constant 1 : i32
        %and3A_465 = arith.andi %squeeze3A_463, %and3A_464 : i32
        %mul3A_466 = arith.constant 64 : i32
        %mul3A_467 = arith.muli %and3A_465, %mul3A_466 : i32
        %get3A_468 = arith.index_cast %add3A_458 : i32 to index
        %get3A_469 = arith.index_cast %mul3A_467 : i32 to index
        %get3A_470 = tpu.vector_load %arg10[%get3A_468, %get3A_469] {strides = array<i32>} : memref<832x128xf32, #tpu.memory_space<vmem>>, vector<1x16xf32>,
        %get3A_471 = vector.shape_cast %get3A_470 : vector<1x16xf32> to vector<16xf32>
        %mul3A_472 = arith.mulf %mul3A_455, %get3A_471 : vector<16xf32>
        %add3A_473 = arith.addf %broadcast_in_dim3A_426, %mul3A_472 : vector<16xf32>
        %add3A_474 = arith.constant 16 : i32
        %add3A_475 = arith.addi %mul3A_467, %add3A_474 : i32
        %get3A_476 = arith.index_cast %add3A_458 : i32 to index
        %get3A_477 = arith.index_cast %add3A_475 : i32 to index
        %get3A_478 = tpu.vector_load %arg10[%get3A_476, %get3A_477] {strides = array<i32>} : memref<832x128xf32, #tpu.memory_space<vmem>>, vector<1x16xf32>,
        %get3A_479 = vector.shape_cast %get3A_478 : vector<1x16xf32> to vector<16xf32>
        %mul3A_480 = arith.mulf %mul3A_455, %get3A_479 : vector<16xf32>
        %add3A_481 = arith.addf %broadcast_in_dim3A_428, %mul3A_480 : vector<16xf32>
        %add3A_482 = arith.constant 32 : i32
        %add3A_483 = arith.addi %mul3A_467, %add3A_482 : i32
        %get3A_484 = arith.index_cast %add3A_458 : i32 to index
        %get3A_485 = arith.index_cast %add3A_483 : i32 to index
        %get3A_486 = tpu.vector_load %arg10[%get3A_484, %get3A_485] {strides = array<i32>} : memref<832x128xf32, #tpu.memory_space<vmem>>, vector<1x16xf32>,
        %get3A_487 = vector.shape_cast %get3A_486 : vector<1x16xf32> to vector<16xf32>
        %mul3A_488 = arith.mulf %mul3A_455, %get3A_487 : vector<16xf32>
        %add3A_489 = arith.addf %broadcast_in_dim3A_430, %mul3A_488 : vector<16xf32>
        %add3A_490 = arith.constant 48 : i32
        %add3A_491 = arith.addi %mul3A_467, %add3A_490 : i32
        %get3A_492 = arith.index_cast %add3A_458 : i32 to index
        %get3A_493 = arith.index_cast %add3A_491 : i32 to index
        %get3A_494 = tpu.vector_load %arg10[%get3A_492, %get3A_493] {strides = array<i32>} : memref<832x128xf32, #tpu.memory_space<vmem>>, vector<1x16xf32>,
        %get3A_495 = vector.shape_cast %get3A_494 : vector<1x16xf32> to vector<16xf32>
        %mul3A_496 = arith.mulf %mul3A_455, %get3A_495 : vector<16xf32>
        %add3A_497 = arith.addf %broadcast_in_dim3A_432, %mul3A_496 : vector<16xf32>
        %add3A_498 = arith.constant -5 : i32
        %add3A_499 = vector.broadcast %add3A_498 : i32 to vector<16xi32>
        %add3A_500 = arith.addi %convert_element_type3A, %add3A_499 : vector<16xi32>
        %ge3A_501 = arith.constant 0 : i32
        %ge3A_502 = vector.broadcast %ge3A_501 : i32 to vector<16xi32>
        %ge3A_503 = arith.cmpi sge, %add3A_500, %ge3A_502 : vector<16xi32>
        %lt3A_504 = arith.constant 100000 : i32
        %lt3A_505 = vector.broadcast %lt3A_504 : i32 to vector<16xi32>
        %lt3A_506 = arith.cmpi slt, %add3A_500, %lt3A_505 : vector<16xi32>
        %and3A_507 = arith.andi %ge3A_503, %lt3A_506 : vector<16xi1>
        %jit3A_508 = arith.constant 1.000000e+00 : f32
        %jit3A_509 = arith.constant 0.000000e+00 : f32
        %broadcast_in_dim3A_510 = vector.broadcast %jit3A_508 : f32 to vector<16xf32>
        %broadcast_in_dim3A_511 = vector.broadcast %jit3A_509 : f32 to vector<16xf32>
        %select_n3A_512 = arith.select %and3A_507, %broadcast_in_dim3A_510, %broadcast_in_dim3A_511 : vector<16xi1>, vector<16xf32>
        %add3A_513 = arith.constant -5.000000e+00 : f32
        %add3A_514 = vector.broadcast %add3A_513 : f32 to vector<16xf32>
        %add3A_515 = arith.addf %convert_element_type3A_424, %add3A_514 : vector<16xf32>
        %sub3A_516 = arith.subf %add3A_515, %broadcast_in_dim3A : vector<16xf32>
        %mul3A_517 = arith.constant 5.000000e-01 : f32
        %mul3A_518 = vector.broadcast %mul3A_517 : f32 to vector<16xf32>
        %mul3A_519 = arith.mulf %sub3A_516, %mul3A_518 : vector<16xf32>
        %mul3A_520 = arith.constant -5.000000e-01 : f32
        %mul3A_521 = vector.broadcast %mul3A_520 : f32 to vector<16xf32>
        %mul3A_522 = arith.mulf %mul3A_521, %mul3A_519 : vector<16xf32>
        %mul3A_523 = arith.mulf %mul3A_522, %mul3A_519 : vector<16xf32>
        %exp3A_524 = math.exp %mul3A_523 : vector<16xf32>
        %mul3A_525 = arith.mulf %exp3A_524, %select_n3A_512 : vector<16xf32>
        %add3A_526 = arith.addf %add3A_456, %mul3A_525 : vector<16xf32>
        %add3A_527 = arith.constant 64 : i32
        %add3A_528 = arith.addi %add3A_527, %scan3A_418 : i32
        %get3A_529 = arith.index_cast %add3A_528 : i32 to index
        %get3A_530 = tpu.vector_load %arg8[%get3A_529] {strides = array<i32>} : memref<848xi32, #tpu.memory_space<vmem>>, vector<16xi32>,
        %get3A_531 = vector.shape_cast %get3A_530 : vector<16xi32> to vector<16xi32>
        %slice3A_532 = vector.extract_strided_slice %get3A_531 {offsets = [0], sizes = [1], strides = [1]} : vector<16xi32> to vector<1xi32>
        %squeeze3A_533 = vector.extract %slice3A_532[0] : i32 from vector<1xi32>
        %and3A_534 = arith.constant 1 : i32
        %and3A_535 = arith.andi %squeeze3A_533, %and3A_534 : i32
        %mul3A_536 = arith.constant 64 : i32
        %mul3A_537 = arith.muli %and3A_535, %mul3A_536 : i32
        %get3A_538 = arith.index_cast %add3A_528 : i32 to index
        %get3A_539 = arith.index_cast %mul3A_537 : i32 to index
        %get3A_540 = tpu.vector_load %arg10[%get3A_538, %get3A_539] {strides = array<i32>} : memref<832x128xf32, #tpu.memory_space<vmem>>, vector<1x16xf32>,
        %get3A_541 = vector.shape_cast %get3A_540 : vector<1x16xf32> to vector<16xf32>
        %mul3A_542 = arith.mulf %mul3A_525, %get3A_541 : vector<16xf32>
        %add3A_543 = arith.addf %add3A_473, %mul3A_542 : vector<16xf32>
        %add3A_544 = arith.constant 16 : i32
        %add3A_545 = arith.addi %mul3A_537, %add3A_544 : i32
        %get3A_546 = arith.index_cast %add3A_528 : i32 to index
        %get3A_547 = arith.index_cast %add3A_545 : i32 to index
        %get3A_548 = tpu.vector_load %arg10[%get3A_546, %get3A_547] {strides = array<i32>} : memref<832x128xf32, #tpu.memory_space<vmem>>, vector<1x16xf32>,
        %get3A_549 = vector.shape_cast %get3A_548 : vector<1x16xf32> to vector<16xf32>
        %mul3A_550 = arith.mulf %mul3A_525, %get3A_549 : vector<16xf32>
        %add3A_551 = arith.addf %add3A_481, %mul3A_550 : vector<16xf32>
        %add3A_552 = arith.constant 32 : i32
        %add3A_553 = arith.addi %mul3A_537, %add3A_552 : i32
        %get3A_554 = arith.index_cast %add3A_528 : i32 to index
        %get3A_555 = arith.index_cast %add3A_553 : i32 to index
        %get3A_556 = tpu.vector_load %arg10[%get3A_554, %get3A_555] {strides = array<i32>} : memref<832x128xf32, #tpu.memory_space<vmem>>, vector<1x16xf32>,
        %get3A_557 = vector.shape_cast %get3A_556 : vector<1x16xf32> to vector<16xf32>
        %mul3A_558 = arith.mulf %mul3A_525, %get3A_557 : vector<16xf32>
        %add3A_559 = arith.addf %add3A_489, %mul3A_558 : vector<16xf32>
        %add3A_560 = arith.constant 48 : i32
        %add3A_561 = arith.addi %mul3A_537, %add3A_560 : i32
        %get3A_562 = arith.index_cast %add3A_528 : i32 to index
        %get3A_563 = arith.index_cast %add3A_561 : i32 to index
        %get3A_564 = tpu.vector_load %arg10[%get3A_562, %get3A_563] {strides = array<i32>} : memref<832x128xf32, #tpu.memory_space<vmem>>, vector<1x16xf32>,
        %get3A_565 = vector.shape_cast %get3A_564 : vector<1x16xf32> to vector<16xf32>
        %mul3A_566 = arith.mulf %mul3A_525, %get3A_565 : vector<16xf32>
        %add3A_567 = arith.addf %add3A_497, %mul3A_566 : vector<16xf32>
        %add3A_568 = arith.constant -4 : i32
        %add3A_569 = vector.broadcast %add3A_568 : i32 to vector<16xi32>
        %add3A_570 = arith.addi %convert_element_type3A, %add3A_569 : vector<16xi32>
        %ge3A_571 = arith.constant 0 : i32
        %ge3A_572 = vector.broadcast %ge3A_571 : i32 to vector<16xi32>
        %ge3A_573 = arith.cmpi sge, %add3A_570, %ge3A_572 : vector<16xi32>
        %lt3A_574 = arith.constant 100000 : i32
        %lt3A_575 = vector.broadcast %lt3A_574 : i32 to vector<16xi32>
        %lt3A_576 = arith.cmpi slt, %add3A_570, %lt3A_575 : vector<16xi32>
        %and3A_577 = arith.andi %ge3A_573, %lt3A_576 : vector<16xi1>
        %jit3A_578 = arith.constant 1.000000e+00 : f32
        %jit3A_579 = arith.constant 0.000000e+00 : f32
        %broadcast_in_dim3A_580 = vector.broadcast %jit3A_578 : f32 to vector<16xf32>
        %broadcast_in_dim3A_581 = vector.broadcast %jit3A_579 : f32 to vector<16xf32>
        %select_n3A_582 = arith.select %and3A_577, %broadcast_in_dim3A_580, %broadcast_in_dim3A_581 : vector<16xi1>, vector<16xf32>
        %add3A_583 = arith.constant -4.000000e+00 : f32
        %add3A_584 = vector.broadcast %add3A_583 : f32 to vector<16xf32>
        %add3A_585 = arith.addf %convert_element_type3A_424, %add3A_584 : vector<16xf32>
        %sub3A_586 = arith.subf %add3A_585, %broadcast_in_dim3A : vector<16xf32>
        %mul3A_587 = arith.constant 5.000000e-01 : f32
        %mul3A_588 = vector.broadcast %mul3A_587 : f32 to vector<16xf32>
        %mul3A_589 = arith.mulf %sub3A_586, %mul3A_588 : vector<16xf32>
        %mul3A_590 = arith.constant -5.000000e-01 : f32
        %mul3A_591 = vector.broadcast %mul3A_590 : f32 to vector<16xf32>
        %mul3A_592 = arith.mulf %mul3A_591, %mul3A_589 : vector<16xf32>
        %mul3A_593 = arith.mulf %mul3A_592, %mul3A_589 : vector<16xf32>
        %exp3A_594 = math.exp %mul3A_593 : vector<16xf32>
        %mul3A_595 = arith.mulf %exp3A_594, %select_n3A_582 : vector<16xf32>
        %add3A_596 = arith.addf %add3A_526, %mul3A_595 : vector<16xf32>
        %add3A_597 = arith.constant 128 : i32
        %add3A_598 = arith.addi %add3A_597, %scan3A_418 : i32
        %get3A_599 = arith.index_cast %add3A_598 : i32 to index
        %get3A_600 = tpu.vector_load %arg8[%get3A_599] {strides = array<i32>} : memref<848xi32, #tpu.memory_space<vmem>>, vector<16xi32>,
        %get3A_601 = vector.shape_cast %get3A_600 : vector<16xi32> to vector<16xi32>
        %slice3A_602 = vector.extract_strided_slice %get3A_601 {offsets = [0], sizes = [1], strides = [1]} : vector<16xi32> to vector<1xi32>
        %squeeze3A_603 = vector.extract %slice3A_602[0] : i32 from vector<1xi32>
        %and3A_604 = arith.constant 1 : i32
        %and3A_605 = arith.andi %squeeze3A_603, %and3A_604 : i32
        %mul3A_606 = arith.constant 64 : i32
        %mul3A_607 = arith.muli %and3A_605, %mul3A_606 : i32
        %get3A_608 = arith.index_cast %add3A_598 : i32 to index
        %get3A_609 = arith.index_cast %mul3A_607 : i32 to index
        %get3A_610 = tpu.vector_load %arg10[%get3A_608, %get3A_609] {strides = array<i32>} : memref<832x128xf32, #tpu.memory_space<vmem>>, vector<1x16xf32>,
        %get3A_611 = vector.shape_cast %get3A_610 : vector<1x16xf32> to vector<16xf32>
        %mul3A_612 = arith.mulf %mul3A_595, %get3A_611 : vector<16xf32>
        %add3A_613 = arith.addf %add3A_543, %mul3A_612 : vector<16xf32>
        %add3A_614 = arith.constant 16 : i32
        %add3A_615 = arith.addi %mul3A_607, %add3A_614 : i32
        %get3A_616 = arith.index_cast %add3A_598 : i32 to index
        %get3A_617 = arith.index_cast %add3A_615 : i32 to index
        %get3A_618 = tpu.vector_load %arg10[%get3A_616, %get3A_617] {strides = array<i32>} : memref<832x128xf32, #tpu.memory_space<vmem>>, vector<1x16xf32>,
        %get3A_619 = vector.shape_cast %get3A_618 : vector<1x16xf32> to vector<16xf32>
        %mul3A_620 = arith.mulf %mul3A_595, %get3A_619 : vector<16xf32>
        %add3A_621 = arith.addf %add3A_551, %mul3A_620 : vector<16xf32>
        %add3A_622 = arith.constant 32 : i32
        %add3A_623 = arith.addi %mul3A_607, %add3A_622 : i32
        %get3A_624 = arith.index_cast %add3A_598 : i32 to index
        %get3A_625 = arith.index_cast %add3A_623 : i32 to index
        %get3A_626 = tpu.vector_load %arg10[%get3A_624, %get3A_625] {strides = array<i32>} : memref<832x128xf32, #tpu.memory_space<vmem>>, vector<1x16xf32>,
        %get3A_627 = vector.shape_cast %get3A_626 : vector<1x16xf32> to vector<16xf32>
        %mul3A_628 = arith.mulf %mul3A_595, %get3A_627 : vector<16xf32>
        %add3A_629 = arith.addf %add3A_559, %mul3A_628 : vector<16xf32>
        %add3A_630 = arith.constant 48 : i32
        %add3A_631 = arith.addi %mul3A_607, %add3A_630 : i32
        %get3A_632 = arith.index_cast %add3A_598 : i32 to index
        %get3A_633 = arith.index_cast %add3A_631 : i32 to index
        %get3A_634 = tpu.vector_load %arg10[%get3A_632, %get3A_633] {strides = array<i32>} : memref<832x128xf32, #tpu.memory_space<vmem>>, vector<1x16xf32>,
        %get3A_635 = vector.shape_cast %get3A_634 : vector<1x16xf32> to vector<16xf32>
        %mul3A_636 = arith.mulf %mul3A_595, %get3A_635 : vector<16xf32>
        %add3A_637 = arith.addf %add3A_567, %mul3A_636 : vector<16xf32>
        %add3A_638 = arith.constant -3 : i32
        %add3A_639 = vector.broadcast %add3A_638 : i32 to vector<16xi32>
        %add3A_640 = arith.addi %convert_element_type3A, %add3A_639 : vector<16xi32>
        %ge3A_641 = arith.constant 0 : i32
        %ge3A_642 = vector.broadcast %ge3A_641 : i32 to vector<16xi32>
        %ge3A_643 = arith.cmpi sge, %add3A_640, %ge3A_642 : vector<16xi32>
        %lt3A_644 = arith.constant 100000 : i32
        %lt3A_645 = vector.broadcast %lt3A_644 : i32 to vector<16xi32>
        %lt3A_646 = arith.cmpi slt, %add3A_640, %lt3A_645 : vector<16xi32>
        %and3A_647 = arith.andi %ge3A_643, %lt3A_646 : vector<16xi1>
        %jit3A_648 = arith.constant 1.000000e+00 : f32
        %jit3A_649 = arith.constant 0.000000e+00 : f32
        %broadcast_in_dim3A_650 = vector.broadcast %jit3A_648 : f32 to vector<16xf32>
        %broadcast_in_dim3A_651 = vector.broadcast %jit3A_649 : f32 to vector<16xf32>
        %select_n3A_652 = arith.select %and3A_647, %broadcast_in_dim3A_650, %broadcast_in_dim3A_651 : vector<16xi1>, vector<16xf32>
        %add3A_653 = arith.constant -3.000000e+00 : f32
        %add3A_654 = vector.broadcast %add3A_653 : f32 to vector<16xf32>
        %add3A_655 = arith.addf %convert_element_type3A_424, %add3A_654 : vector<16xf32>
        %sub3A_656 = arith.subf %add3A_655, %broadcast_in_dim3A : vector<16xf32>
        %mul3A_657 = arith.constant 5.000000e-01 : f32
        %mul3A_658 = vector.broadcast %mul3A_657 : f32 to vector<16xf32>
        %mul3A_659 = arith.mulf %sub3A_656, %mul3A_658 : vector<16xf32>
        %mul3A_660 = arith.constant -5.000000e-01 : f32
        %mul3A_661 = vector.broadcast %mul3A_660 : f32 to vector<16xf32>
        %mul3A_662 = arith.mulf %mul3A_661, %mul3A_659 : vector<16xf32>
        %mul3A_663 = arith.mulf %mul3A_662, %mul3A_659 : vector<16xf32>
        %exp3A_664 = math.exp %mul3A_663 : vector<16xf32>
        %mul3A_665 = arith.mulf %exp3A_664, %select_n3A_652 : vector<16xf32>
        %add3A_666 = arith.addf %add3A_596, %mul3A_665 : vector<16xf32>
        %add3A_667 = arith.constant 192 : i32
        %add3A_668 = arith.addi %add3A_667, %scan3A_418 : i32
        %get3A_669 = arith.index_cast %add3A_668 : i32 to index
        %get3A_670 = tpu.vector_load %arg8[%get3A_669] {strides = array<i32>} : memref<848xi32, #tpu.memory_space<vmem>>, vector<16xi32>,
        %get3A_671 = vector.shape_cast %get3A_670 : vector<16xi32> to vector<16xi32>
        %slice3A_672 = vector.extract_strided_slice %get3A_671 {offsets = [0], sizes = [1], strides = [1]} : vector<16xi32> to vector<1xi32>
        %squeeze3A_673 = vector.extract %slice3A_672[0] : i32 from vector<1xi32>
        %and3A_674 = arith.constant 1 : i32
        %and3A_675 = arith.andi %squeeze3A_673, %and3A_674 : i32
        %mul3A_676 = arith.constant 64 : i32
        %mul3A_677 = arith.muli %and3A_675, %mul3A_676 : i32
        %get3A_678 = arith.index_cast %add3A_668 : i32 to index
        %get3A_679 = arith.index_cast %mul3A_677 : i32 to index
        %get3A_680 = tpu.vector_load %arg10[%get3A_678, %get3A_679] {strides = array<i32>} : memref<832x128xf32, #tpu.memory_space<vmem>>, vector<1x16xf32>,
        %get3A_681 = vector.shape_cast %get3A_680 : vector<1x16xf32> to vector<16xf32>
        %mul3A_682 = arith.mulf %mul3A_665, %get3A_681 : vector<16xf32>
        %add3A_683 = arith.addf %add3A_613, %mul3A_682 : vector<16xf32>
        %add3A_684 = arith.constant 16 : i32
        %add3A_685 = arith.addi %mul3A_677, %add3A_684 : i32
        %get3A_686 = arith.index_cast %add3A_668 : i32 to index
        %get3A_687 = arith.index_cast %add3A_685 : i32 to index
        %get3A_688 = tpu.vector_load %arg10[%get3A_686, %get3A_687] {strides = array<i32>} : memref<832x128xf32, #tpu.memory_space<vmem>>, vector<1x16xf32>,
        %get3A_689 = vector.shape_cast %get3A_688 : vector<1x16xf32> to vector<16xf32>
        %mul3A_690 = arith.mulf %mul3A_665, %get3A_689 : vector<16xf32>
        %add3A_691 = arith.addf %add3A_621, %mul3A_690 : vector<16xf32>
        %add3A_692 = arith.constant 32 : i32
        %add3A_693 = arith.addi %mul3A_677, %add3A_692 : i32
        %get3A_694 = arith.index_cast %add3A_668 : i32 to index
        %get3A_695 = arith.index_cast %add3A_693 : i32 to index
        %get3A_696 = tpu.vector_load %arg10[%get3A_694, %get3A_695] {strides = array<i32>} : memref<832x128xf32, #tpu.memory_space<vmem>>, vector<1x16xf32>,
        %get3A_697 = vector.shape_cast %get3A_696 : vector<1x16xf32> to vector<16xf32>
        %mul3A_698 = arith.mulf %mul3A_665, %get3A_697 : vector<16xf32>
        %add3A_699 = arith.addf %add3A_629, %mul3A_698 : vector<16xf32>
        %add3A_700 = arith.constant 48 : i32
        %add3A_701 = arith.addi %mul3A_677, %add3A_700 : i32
        %get3A_702 = arith.index_cast %add3A_668 : i32 to index
        %get3A_703 = arith.index_cast %add3A_701 : i32 to index
        %get3A_704 = tpu.vector_load %arg10[%get3A_702, %get3A_703] {strides = array<i32>} : memref<832x128xf32, #tpu.memory_space<vmem>>, vector<1x16xf32>,
        %get3A_705 = vector.shape_cast %get3A_704 : vector<1x16xf32> to vector<16xf32>
        %mul3A_706 = arith.mulf %mul3A_665, %get3A_705 : vector<16xf32>
        %add3A_707 = arith.addf %add3A_637, %mul3A_706 : vector<16xf32>
        %add3A_708 = arith.constant -2 : i32
        %add3A_709 = vector.broadcast %add3A_708 : i32 to vector<16xi32>
        %add3A_710 = arith.addi %convert_element_type3A, %add3A_709 : vector<16xi32>
        %ge3A_711 = arith.constant 0 : i32
        %ge3A_712 = vector.broadcast %ge3A_711 : i32 to vector<16xi32>
        %ge3A_713 = arith.cmpi sge, %add3A_710, %ge3A_712 : vector<16xi32>
        %lt3A_714 = arith.constant 100000 : i32
        %lt3A_715 = vector.broadcast %lt3A_714 : i32 to vector<16xi32>
        %lt3A_716 = arith.cmpi slt, %add3A_710, %lt3A_715 : vector<16xi32>
        %and3A_717 = arith.andi %ge3A_713, %lt3A_716 : vector<16xi1>
        %jit3A_718 = arith.constant 1.000000e+00 : f32
        %jit3A_719 = arith.constant 0.000000e+00 : f32
        %broadcast_in_dim3A_720 = vector.broadcast %jit3A_718 : f32 to vector<16xf32>
        %broadcast_in_dim3A_721 = vector.broadcast %jit3A_719 : f32 to vector<16xf32>
        %select_n3A_722 = arith.select %and3A_717, %broadcast_in_dim3A_720, %broadcast_in_dim3A_721 : vector<16xi1>, vector<16xf32>
        %add3A_723 = arith.constant -2.000000e+00 : f32
        %add3A_724 = vector.broadcast %add3A_723 : f32 to vector<16xf32>
        %add3A_725 = arith.addf %convert_element_type3A_424, %add3A_724 : vector<16xf32>
        %sub3A_726 = arith.subf %add3A_725, %broadcast_in_dim3A : vector<16xf32>
        %mul3A_727 = arith.constant 5.000000e-01 : f32
        %mul3A_728 = vector.broadcast %mul3A_727 : f32 to vector<16xf32>
        %mul3A_729 = arith.mulf %sub3A_726, %mul3A_728 : vector<16xf32>
        %mul3A_730 = arith.constant -5.000000e-01 : f32
        %mul3A_731 = vector.broadcast %mul3A_730 : f32 to vector<16xf32>
        %mul3A_732 = arith.mulf %mul3A_731, %mul3A_729 : vector<16xf32>
        %mul3A_733 = arith.mulf %mul3A_732, %mul3A_729 : vector<16xf32>
        %exp3A_734 = math.exp %mul3A_733 : vector<16xf32>
        %mul3A_735 = arith.mulf %exp3A_734, %select_n3A_722 : vector<16xf32>
        %add3A_736 = arith.addf %add3A_666, %mul3A_735 : vector<16xf32>
        %add3A_737 = arith.constant 256 : i32
        %add3A_738 = arith.addi %add3A_737, %scan3A_418 : i32
        %get3A_739 = arith.index_cast %add3A_738 : i32 to index
        %get3A_740 = tpu.vector_load %arg8[%get3A_739] {strides = array<i32>} : memref<848xi32, #tpu.memory_space<vmem>>, vector<16xi32>,
        %get3A_741 = vector.shape_cast %get3A_740 : vector<16xi32> to vector<16xi32>
        %slice3A_742 = vector.extract_strided_slice %get3A_741 {offsets = [0], sizes = [1], strides = [1]} : vector<16xi32> to vector<1xi32>
        %squeeze3A_743 = vector.extract %slice3A_742[0] : i32 from vector<1xi32>
        %and3A_744 = arith.constant 1 : i32
        %and3A_745 = arith.andi %squeeze3A_743, %and3A_744 : i32
        %mul3A_746 = arith.constant 64 : i32
        %mul3A_747 = arith.muli %and3A_745, %mul3A_746 : i32
        %get3A_748 = arith.index_cast %add3A_738 : i32 to index
        %get3A_749 = arith.index_cast %mul3A_747 : i32 to index
        %get3A_750 = tpu.vector_load %arg10[%get3A_748, %get3A_749] {strides = array<i32>} : memref<832x128xf32, #tpu.memory_space<vmem>>, vector<1x16xf32>,
        %get3A_751 = vector.shape_cast %get3A_750 : vector<1x16xf32> to vector<16xf32>
        %mul3A_752 = arith.mulf %mul3A_735, %get3A_751 : vector<16xf32>
        %add3A_753 = arith.addf %add3A_683, %mul3A_752 : vector<16xf32>
        %add3A_754 = arith.constant 16 : i32
        %add3A_755 = arith.addi %mul3A_747, %add3A_754 : i32
        %get3A_756 = arith.index_cast %add3A_738 : i32 to index
        %get3A_757 = arith.index_cast %add3A_755 : i32 to index
        %get3A_758 = tpu.vector_load %arg10[%get3A_756, %get3A_757] {strides = array<i32>} : memref<832x128xf32, #tpu.memory_space<vmem>>, vector<1x16xf32>,
        %get3A_759 = vector.shape_cast %get3A_758 : vector<1x16xf32> to vector<16xf32>
        %mul3A_760 = arith.mulf %mul3A_735, %get3A_759 : vector<16xf32>
        %add3A_761 = arith.addf %add3A_691, %mul3A_760 : vector<16xf32>
        %add3A_762 = arith.constant 32 : i32
        %add3A_763 = arith.addi %mul3A_747, %add3A_762 : i32
        %get3A_764 = arith.index_cast %add3A_738 : i32 to index
        %get3A_765 = arith.index_cast %add3A_763 : i32 to index
        %get3A_766 = tpu.vector_load %arg10[%get3A_764, %get3A_765] {strides = array<i32>} : memref<832x128xf32, #tpu.memory_space<vmem>>, vector<1x16xf32>,
        %get3A_767 = vector.shape_cast %get3A_766 : vector<1x16xf32> to vector<16xf32>
        %mul3A_768 = arith.mulf %mul3A_735, %get3A_767 : vector<16xf32>
        %add3A_769 = arith.addf %add3A_699, %mul3A_768 : vector<16xf32>
        %add3A_770 = arith.constant 48 : i32
        %add3A_771 = arith.addi %mul3A_747, %add3A_770 : i32
        %get3A_772 = arith.index_cast %add3A_738 : i32 to index
        %get3A_773 = arith.index_cast %add3A_771 : i32 to index
        %get3A_774 = tpu.vector_load %arg10[%get3A_772, %get3A_773] {strides = array<i32>} : memref<832x128xf32, #tpu.memory_space<vmem>>, vector<1x16xf32>,
        %get3A_775 = vector.shape_cast %get3A_774 : vector<1x16xf32> to vector<16xf32>
        %mul3A_776 = arith.mulf %mul3A_735, %get3A_775 : vector<16xf32>
        %add3A_777 = arith.addf %add3A_707, %mul3A_776 : vector<16xf32>
        %add3A_778 = arith.constant -1 : i32
        %add3A_779 = vector.broadcast %add3A_778 : i32 to vector<16xi32>
        %add3A_780 = arith.addi %convert_element_type3A, %add3A_779 : vector<16xi32>
        %ge3A_781 = arith.constant 0 : i32
        %ge3A_782 = vector.broadcast %ge3A_781 : i32 to vector<16xi32>
        %ge3A_783 = arith.cmpi sge, %add3A_780, %ge3A_782 : vector<16xi32>
        %lt3A_784 = arith.constant 100000 : i32
        %lt3A_785 = vector.broadcast %lt3A_784 : i32 to vector<16xi32>
        %lt3A_786 = arith.cmpi slt, %add3A_780, %lt3A_785 : vector<16xi32>
        %and3A_787 = arith.andi %ge3A_783, %lt3A_786 : vector<16xi1>
        %jit3A_788 = arith.constant 1.000000e+00 : f32
        %jit3A_789 = arith.constant 0.000000e+00 : f32
        %broadcast_in_dim3A_790 = vector.broadcast %jit3A_788 : f32 to vector<16xf32>
        %broadcast_in_dim3A_791 = vector.broadcast %jit3A_789 : f32 to vector<16xf32>
        %select_n3A_792 = arith.select %and3A_787, %broadcast_in_dim3A_790, %broadcast_in_dim3A_791 : vector<16xi1>, vector<16xf32>
        %add3A_793 = arith.constant -1.000000e+00 : f32
        %add3A_794 = vector.broadcast %add3A_793 : f32 to vector<16xf32>
        %add3A_795 = arith.addf %convert_element_type3A_424, %add3A_794 : vector<16xf32>
        %sub3A_796 = arith.subf %add3A_795, %broadcast_in_dim3A : vector<16xf32>
        %mul3A_797 = arith.constant 5.000000e-01 : f32
        %mul3A_798 = vector.broadcast %mul3A_797 : f32 to vector<16xf32>
        %mul3A_799 = arith.mulf %sub3A_796, %mul3A_798 : vector<16xf32>
        %mul3A_800 = arith.constant -5.000000e-01 : f32
        %mul3A_801 = vector.broadcast %mul3A_800 : f32 to vector<16xf32>
        %mul3A_802 = arith.mulf %mul3A_801, %mul3A_799 : vector<16xf32>
        %mul3A_803 = arith.mulf %mul3A_802, %mul3A_799 : vector<16xf32>
        %exp3A_804 = math.exp %mul3A_803 : vector<16xf32>
        %mul3A_805 = arith.mulf %exp3A_804, %select_n3A_792 : vector<16xf32>
        %add3A_806 = arith.addf %add3A_736, %mul3A_805 : vector<16xf32>
        %add3A_807 = arith.constant 320 : i32
        %add3A_808 = arith.addi %add3A_807, %scan3A_418 : i32
        %get3A_809 = arith.index_cast %add3A_808 : i32 to index
        %get3A_810 = tpu.vector_load %arg8[%get3A_809] {strides = array<i32>} : memref<848xi32, #tpu.memory_space<vmem>>, vector<16xi32>,
        %get3A_811 = vector.shape_cast %get3A_810 : vector<16xi32> to vector<16xi32>
        %slice3A_812 = vector.extract_strided_slice %get3A_811 {offsets = [0], sizes = [1], strides = [1]} : vector<16xi32> to vector<1xi32>
        %squeeze3A_813 = vector.extract %slice3A_812[0] : i32 from vector<1xi32>
        %and3A_814 = arith.constant 1 : i32
        %and3A_815 = arith.andi %squeeze3A_813, %and3A_814 : i32
        %mul3A_816 = arith.constant 64 : i32
        %mul3A_817 = arith.muli %and3A_815, %mul3A_816 : i32
        %get3A_818 = arith.index_cast %add3A_808 : i32 to index
        %get3A_819 = arith.index_cast %mul3A_817 : i32 to index
        %get3A_820 = tpu.vector_load %arg10[%get3A_818, %get3A_819] {strides = array<i32>} : memref<832x128xf32, #tpu.memory_space<vmem>>, vector<1x16xf32>,
        %get3A_821 = vector.shape_cast %get3A_820 : vector<1x16xf32> to vector<16xf32>
        %mul3A_822 = arith.mulf %mul3A_805, %get3A_821 : vector<16xf32>
        %add3A_823 = arith.addf %add3A_753, %mul3A_822 : vector<16xf32>
        %add3A_824 = arith.constant 16 : i32
        %add3A_825 = arith.addi %mul3A_817, %add3A_824 : i32
        %get3A_826 = arith.index_cast %add3A_808 : i32 to index
        %get3A_827 = arith.index_cast %add3A_825 : i32 to index
        %get3A_828 = tpu.vector_load %arg10[%get3A_826, %get3A_827] {strides = array<i32>} : memref<832x128xf32, #tpu.memory_space<vmem>>, vector<1x16xf32>,
        %get3A_829 = vector.shape_cast %get3A_828 : vector<1x16xf32> to vector<16xf32>
        %mul3A_830 = arith.mulf %mul3A_805, %get3A_829 : vector<16xf32>
        %add3A_831 = arith.addf %add3A_761, %mul3A_830 : vector<16xf32>
        %add3A_832 = arith.constant 32 : i32
        %add3A_833 = arith.addi %mul3A_817, %add3A_832 : i32
        %get3A_834 = arith.index_cast %add3A_808 : i32 to index
        %get3A_835 = arith.index_cast %add3A_833 : i32 to index
        %get3A_836 = tpu.vector_load %arg10[%get3A_834, %get3A_835] {strides = array<i32>} : memref<832x128xf32, #tpu.memory_space<vmem>>, vector<1x16xf32>,
        %get3A_837 = vector.shape_cast %get3A_836 : vector<1x16xf32> to vector<16xf32>
        %mul3A_838 = arith.mulf %mul3A_805, %get3A_837 : vector<16xf32>
        %add3A_839 = arith.addf %add3A_769, %mul3A_838 : vector<16xf32>
        %add3A_840 = arith.constant 48 : i32
        %add3A_841 = arith.addi %mul3A_817, %add3A_840 : i32
        %get3A_842 = arith.index_cast %add3A_808 : i32 to index
        %get3A_843 = arith.index_cast %add3A_841 : i32 to index
        %get3A_844 = tpu.vector_load %arg10[%get3A_842, %get3A_843] {strides = array<i32>} : memref<832x128xf32, #tpu.memory_space<vmem>>, vector<1x16xf32>,
        %get3A_845 = vector.shape_cast %get3A_844 : vector<1x16xf32> to vector<16xf32>
        %mul3A_846 = arith.mulf %mul3A_805, %get3A_845 : vector<16xf32>
        %add3A_847 = arith.addf %add3A_777, %mul3A_846 : vector<16xf32>
        %add3A_848 = arith.constant 0 : i32
        %add3A_849 = vector.broadcast %add3A_848 : i32 to vector<16xi32>
        %add3A_850 = arith.addi %convert_element_type3A, %add3A_849 : vector<16xi32>
        %ge3A_851 = arith.constant 0 : i32
        %ge3A_852 = vector.broadcast %ge3A_851 : i32 to vector<16xi32>
        %ge3A_853 = arith.cmpi sge, %add3A_850, %ge3A_852 : vector<16xi32>
        %lt3A_854 = arith.constant 100000 : i32
        %lt3A_855 = vector.broadcast %lt3A_854 : i32 to vector<16xi32>
        %lt3A_856 = arith.cmpi slt, %add3A_850, %lt3A_855 : vector<16xi32>
        %and3A_857 = arith.andi %ge3A_853, %lt3A_856 : vector<16xi1>
        %jit3A_858 = arith.constant 1.000000e+00 : f32
        %jit3A_859 = arith.constant 0.000000e+00 : f32
        %broadcast_in_dim3A_860 = vector.broadcast %jit3A_858 : f32 to vector<16xf32>
        %broadcast_in_dim3A_861 = vector.broadcast %jit3A_859 : f32 to vector<16xf32>
        %select_n3A_862 = arith.select %and3A_857, %broadcast_in_dim3A_860, %broadcast_in_dim3A_861 : vector<16xi1>, vector<16xf32>
        %add3A_863 = arith.constant 0.000000e+00 : f32
        %add3A_864 = vector.broadcast %add3A_863 : f32 to vector<16xf32>
        %add3A_865 = arith.addf %convert_element_type3A_424, %add3A_864 : vector<16xf32>
        %sub3A_866 = arith.subf %add3A_865, %broadcast_in_dim3A : vector<16xf32>
        %mul3A_867 = arith.constant 5.000000e-01 : f32
        %mul3A_868 = vector.broadcast %mul3A_867 : f32 to vector<16xf32>
        %mul3A_869 = arith.mulf %sub3A_866, %mul3A_868 : vector<16xf32>
        %mul3A_870 = arith.constant -5.000000e-01 : f32
        %mul3A_871 = vector.broadcast %mul3A_870 : f32 to vector<16xf32>
        %mul3A_872 = arith.mulf %mul3A_871, %mul3A_869 : vector<16xf32>
        %mul3A_873 = arith.mulf %mul3A_872, %mul3A_869 : vector<16xf32>
        %exp3A_874 = math.exp %mul3A_873 : vector<16xf32>
        %mul3A_875 = arith.mulf %exp3A_874, %select_n3A_862 : vector<16xf32>
        %add3A_876 = arith.addf %add3A_806, %mul3A_875 : vector<16xf32>
        %add3A_877 = arith.constant 384 : i32
        %add3A_878 = arith.addi %add3A_877, %scan3A_418 : i32
        %get3A_879 = arith.index_cast %add3A_878 : i32 to index
        %get3A_880 = tpu.vector_load %arg8[%get3A_879] {strides = array<i32>} : memref<848xi32, #tpu.memory_space<vmem>>, vector<16xi32>,
        %get3A_881 = vector.shape_cast %get3A_880 : vector<16xi32> to vector<16xi32>
        %slice3A_882 = vector.extract_strided_slice %get3A_881 {offsets = [0], sizes = [1], strides = [1]} : vector<16xi32> to vector<1xi32>
        %squeeze3A_883 = vector.extract %slice3A_882[0] : i32 from vector<1xi32>
        %and3A_884 = arith.constant 1 : i32
        %and3A_885 = arith.andi %squeeze3A_883, %and3A_884 : i32
        %mul3A_886 = arith.constant 64 : i32
        %mul3A_887 = arith.muli %and3A_885, %mul3A_886 : i32
        %get3A_888 = arith.index_cast %add3A_878 : i32 to index
        %get3A_889 = arith.index_cast %mul3A_887 : i32 to index
        %get3A_890 = tpu.vector_load %arg10[%get3A_888, %get3A_889] {strides = array<i32>} : memref<832x128xf32, #tpu.memory_space<vmem>>, vector<1x16xf32>,
        %get3A_891 = vector.shape_cast %get3A_890 : vector<1x16xf32> to vector<16xf32>
        %mul3A_892 = arith.mulf %mul3A_875, %get3A_891 : vector<16xf32>
        %add3A_893 = arith.addf %add3A_823, %mul3A_892 : vector<16xf32>
        %add3A_894 = arith.constant 16 : i32
        %add3A_895 = arith.addi %mul3A_887, %add3A_894 : i32
        %get3A_896 = arith.index_cast %add3A_878 : i32 to index
        %get3A_897 = arith.index_cast %add3A_895 : i32 to index
        %get3A_898 = tpu.vector_load %arg10[%get3A_896, %get3A_897] {strides = array<i32>} : memref<832x128xf32, #tpu.memory_space<vmem>>, vector<1x16xf32>,
        %get3A_899 = vector.shape_cast %get3A_898 : vector<1x16xf32> to vector<16xf32>
        %mul3A_900 = arith.mulf %mul3A_875, %get3A_899 : vector<16xf32>
        %add3A_901 = arith.addf %add3A_831, %mul3A_900 : vector<16xf32>
        %add3A_902 = arith.constant 32 : i32
        %add3A_903 = arith.addi %mul3A_887, %add3A_902 : i32
        %get3A_904 = arith.index_cast %add3A_878 : i32 to index
        %get3A_905 = arith.index_cast %add3A_903 : i32 to index
        %get3A_906 = tpu.vector_load %arg10[%get3A_904, %get3A_905] {strides = array<i32>} : memref<832x128xf32, #tpu.memory_space<vmem>>, vector<1x16xf32>,
        %get3A_907 = vector.shape_cast %get3A_906 : vector<1x16xf32> to vector<16xf32>
        %mul3A_908 = arith.mulf %mul3A_875, %get3A_907 : vector<16xf32>
        %add3A_909 = arith.addf %add3A_839, %mul3A_908 : vector<16xf32>
        %add3A_910 = arith.constant 48 : i32
        %add3A_911 = arith.addi %mul3A_887, %add3A_910 : i32
        %get3A_912 = arith.index_cast %add3A_878 : i32 to index
        %get3A_913 = arith.index_cast %add3A_911 : i32 to index
        %get3A_914 = tpu.vector_load %arg10[%get3A_912, %get3A_913] {strides = array<i32>} : memref<832x128xf32, #tpu.memory_space<vmem>>, vector<1x16xf32>,
        %get3A_915 = vector.shape_cast %get3A_914 : vector<1x16xf32> to vector<16xf32>
        %mul3A_916 = arith.mulf %mul3A_875, %get3A_915 : vector<16xf32>
        %add3A_917 = arith.addf %add3A_847, %mul3A_916 : vector<16xf32>
        %add3A_918 = arith.constant 1 : i32
        %add3A_919 = vector.broadcast %add3A_918 : i32 to vector<16xi32>
        %add3A_920 = arith.addi %convert_element_type3A, %add3A_919 : vector<16xi32>
        %ge3A_921 = arith.constant 0 : i32
        %ge3A_922 = vector.broadcast %ge3A_921 : i32 to vector<16xi32>
        %ge3A_923 = arith.cmpi sge, %add3A_920, %ge3A_922 : vector<16xi32>
        %lt3A_924 = arith.constant 100000 : i32
        %lt3A_925 = vector.broadcast %lt3A_924 : i32 to vector<16xi32>
        %lt3A_926 = arith.cmpi slt, %add3A_920, %lt3A_925 : vector<16xi32>
        %and3A_927 = arith.andi %ge3A_923, %lt3A_926 : vector<16xi1>
        %jit3A_928 = arith.constant 1.000000e+00 : f32
        %jit3A_929 = arith.constant 0.000000e+00 : f32
        %broadcast_in_dim3A_930 = vector.broadcast %jit3A_928 : f32 to vector<16xf32>
        %broadcast_in_dim3A_931 = vector.broadcast %jit3A_929 : f32 to vector<16xf32>
        %select_n3A_932 = arith.select %and3A_927, %broadcast_in_dim3A_930, %broadcast_in_dim3A_931 : vector<16xi1>, vector<16xf32>
        %add3A_933 = arith.constant 1.000000e+00 : f32
        %add3A_934 = vector.broadcast %add3A_933 : f32 to vector<16xf32>
        %add3A_935 = arith.addf %convert_element_type3A_424, %add3A_934 : vector<16xf32>
        %sub3A_936 = arith.subf %add3A_935, %broadcast_in_dim3A : vector<16xf32>
        %mul3A_937 = arith.constant 5.000000e-01 : f32
        %mul3A_938 = vector.broadcast %mul3A_937 : f32 to vector<16xf32>
        %mul3A_939 = arith.mulf %sub3A_936, %mul3A_938 : vector<16xf32>
        %mul3A_940 = arith.constant -5.000000e-01 : f32
        %mul3A_941 = vector.broadcast %mul3A_940 : f32 to vector<16xf32>
        %mul3A_942 = arith.mulf %mul3A_941, %mul3A_939 : vector<16xf32>
        %mul3A_943 = arith.mulf %mul3A_942, %mul3A_939 : vector<16xf32>
        %exp3A_944 = math.exp %mul3A_943 : vector<16xf32>
        %mul3A_945 = arith.mulf %exp3A_944, %select_n3A_932 : vector<16xf32>
        %add3A_946 = arith.addf %add3A_876, %mul3A_945 : vector<16xf32>
        %add3A_947 = arith.constant 448 : i32
        %add3A_948 = arith.addi %add3A_947, %scan3A_418 : i32
        %get3A_949 = arith.index_cast %add3A_948 : i32 to index
        %get3A_950 = tpu.vector_load %arg8[%get3A_949] {strides = array<i32>} : memref<848xi32, #tpu.memory_space<vmem>>, vector<16xi32>,
        %get3A_951 = vector.shape_cast %get3A_950 : vector<16xi32> to vector<16xi32>
        %slice3A_952 = vector.extract_strided_slice %get3A_951 {offsets = [0], sizes = [1], strides = [1]} : vector<16xi32> to vector<1xi32>
        %squeeze3A_953 = vector.extract %slice3A_952[0] : i32 from vector<1xi32>
        %and3A_954 = arith.constant 1 : i32
        %and3A_955 = arith.andi %squeeze3A_953, %and3A_954 : i32
        %mul3A_956 = arith.constant 64 : i32
        %mul3A_957 = arith.muli %and3A_955, %mul3A_956 : i32
        %get3A_958 = arith.index_cast %add3A_948 : i32 to index
        %get3A_959 = arith.index_cast %mul3A_957 : i32 to index
        %get3A_960 = tpu.vector_load %arg10[%get3A_958, %get3A_959] {strides = array<i32>} : memref<832x128xf32, #tpu.memory_space<vmem>>, vector<1x16xf32>,
        %get3A_961 = vector.shape_cast %get3A_960 : vector<1x16xf32> to vector<16xf32>
        %mul3A_962 = arith.mulf %mul3A_945, %get3A_961 : vector<16xf32>
        %add3A_963 = arith.addf %add3A_893, %mul3A_962 : vector<16xf32>
        %add3A_964 = arith.constant 16 : i32
        %add3A_965 = arith.addi %mul3A_957, %add3A_964 : i32
        %get3A_966 = arith.index_cast %add3A_948 : i32 to index
        %get3A_967 = arith.index_cast %add3A_965 : i32 to index
        %get3A_968 = tpu.vector_load %arg10[%get3A_966, %get3A_967] {strides = array<i32>} : memref<832x128xf32, #tpu.memory_space<vmem>>, vector<1x16xf32>,
        %get3A_969 = vector.shape_cast %get3A_968 : vector<1x16xf32> to vector<16xf32>
        %mul3A_970 = arith.mulf %mul3A_945, %get3A_969 : vector<16xf32>
        %add3A_971 = arith.addf %add3A_901, %mul3A_970 : vector<16xf32>
        %add3A_972 = arith.constant 32 : i32
        %add3A_973 = arith.addi %mul3A_957, %add3A_972 : i32
        %get3A_974 = arith.index_cast %add3A_948 : i32 to index
        %get3A_975 = arith.index_cast %add3A_973 : i32 to index
        %get3A_976 = tpu.vector_load %arg10[%get3A_974, %get3A_975] {strides = array<i32>} : memref<832x128xf32, #tpu.memory_space<vmem>>, vector<1x16xf32>,
        %get3A_977 = vector.shape_cast %get3A_976 : vector<1x16xf32> to vector<16xf32>
        %mul3A_978 = arith.mulf %mul3A_945, %get3A_977 : vector<16xf32>
        %add3A_979 = arith.addf %add3A_909, %mul3A_978 : vector<16xf32>
        %add3A_980 = arith.constant 48 : i32
        %add3A_981 = arith.addi %mul3A_957, %add3A_980 : i32
        %get3A_982 = arith.index_cast %add3A_948 : i32 to index
        %get3A_983 = arith.index_cast %add3A_981 : i32 to index
        %get3A_984 = tpu.vector_load %arg10[%get3A_982, %get3A_983] {strides = array<i32>} : memref<832x128xf32, #tpu.memory_space<vmem>>, vector<1x16xf32>,
        %get3A_985 = vector.shape_cast %get3A_984 : vector<1x16xf32> to vector<16xf32>
        %mul3A_986 = arith.mulf %mul3A_945, %get3A_985 : vector<16xf32>
        %add3A_987 = arith.addf %add3A_917, %mul3A_986 : vector<16xf32>
        %add3A_988 = arith.constant 2 : i32
        %add3A_989 = vector.broadcast %add3A_988 : i32 to vector<16xi32>
        %add3A_990 = arith.addi %convert_element_type3A, %add3A_989 : vector<16xi32>
        %ge3A_991 = arith.constant 0 : i32
        %ge3A_992 = vector.broadcast %ge3A_991 : i32 to vector<16xi32>
        %ge3A_993 = arith.cmpi sge, %add3A_990, %ge3A_992 : vector<16xi32>
        %lt3A_994 = arith.constant 100000 : i32
        %lt3A_995 = vector.broadcast %lt3A_994 : i32 to vector<16xi32>
        %lt3A_996 = arith.cmpi slt, %add3A_990, %lt3A_995 : vector<16xi32>
        %and3A_997 = arith.andi %ge3A_993, %lt3A_996 : vector<16xi1>
        %jit3A_998 = arith.constant 1.000000e+00 : f32
        %jit3A_999 = arith.constant 0.000000e+00 : f32
        %broadcast_in_dim3A_1000 = vector.broadcast %jit3A_998 : f32 to vector<16xf32>
        %broadcast_in_dim3A_1001 = vector.broadcast %jit3A_999 : f32 to vector<16xf32>
        %select_n3A_1002 = arith.select %and3A_997, %broadcast_in_dim3A_1000, %broadcast_in_dim3A_1001 : vector<16xi1>, vector<16xf32>
        %add3A_1003 = arith.constant 2.000000e+00 : f32
        %add3A_1004 = vector.broadcast %add3A_1003 : f32 to vector<16xf32>
        %add3A_1005 = arith.addf %convert_element_type3A_424, %add3A_1004 : vector<16xf32>
        %sub3A_1006 = arith.subf %add3A_1005, %broadcast_in_dim3A : vector<16xf32>
        %mul3A_1007 = arith.constant 5.000000e-01 : f32
        %mul3A_1008 = vector.broadcast %mul3A_1007 : f32 to vector<16xf32>
        %mul3A_1009 = arith.mulf %sub3A_1006, %mul3A_1008 : vector<16xf32>
        %mul3A_1010 = arith.constant -5.000000e-01 : f32
        %mul3A_1011 = vector.broadcast %mul3A_1010 : f32 to vector<16xf32>
        %mul3A_1012 = arith.mulf %mul3A_1011, %mul3A_1009 : vector<16xf32>
        %mul3A_1013 = arith.mulf %mul3A_1012, %mul3A_1009 : vector<16xf32>
        %exp3A_1014 = math.exp %mul3A_1013 : vector<16xf32>
        %mul3A_1015 = arith.mulf %exp3A_1014, %select_n3A_1002 : vector<16xf32>
        %add3A_1016 = arith.addf %add3A_946, %mul3A_1015 : vector<16xf32>
        %add3A_1017 = arith.constant 512 : i32
        %add3A_1018 = arith.addi %add3A_1017, %scan3A_418 : i32
        %get3A_1019 = arith.index_cast %add3A_1018 : i32 to index
        %get3A_1020 = tpu.vector_load %arg8[%get3A_1019] {strides = array<i32>} : memref<848xi32, #tpu.memory_space<vmem>>, vector<16xi32>,
        %get3A_1021 = vector.shape_cast %get3A_1020 : vector<16xi32> to vector<16xi32>
        %slice3A_1022 = vector.extract_strided_slice %get3A_1021 {offsets = [0], sizes = [1], strides = [1]} : vector<16xi32> to vector<1xi32>
        %squeeze3A_1023 = vector.extract %slice3A_1022[0] : i32 from vector<1xi32>
        %and3A_1024 = arith.constant 1 : i32
        %and3A_1025 = arith.andi %squeeze3A_1023, %and3A_1024 : i32
        %mul3A_1026 = arith.constant 64 : i32
        %mul3A_1027 = arith.muli %and3A_1025, %mul3A_1026 : i32
        %get3A_1028 = arith.index_cast %add3A_1018 : i32 to index
        %get3A_1029 = arith.index_cast %mul3A_1027 : i32 to index
        %get3A_1030 = tpu.vector_load %arg10[%get3A_1028, %get3A_1029] {strides = array<i32>} : memref<832x128xf32, #tpu.memory_space<vmem>>, vector<1x16xf32>,
        %get3A_1031 = vector.shape_cast %get3A_1030 : vector<1x16xf32> to vector<16xf32>
        %mul3A_1032 = arith.mulf %mul3A_1015, %get3A_1031 : vector<16xf32>
        %add3A_1033 = arith.addf %add3A_963, %mul3A_1032 : vector<16xf32>
        %add3A_1034 = arith.constant 16 : i32
        %add3A_1035 = arith.addi %mul3A_1027, %add3A_1034 : i32
        %get3A_1036 = arith.index_cast %add3A_1018 : i32 to index
        %get3A_1037 = arith.index_cast %add3A_1035 : i32 to index
        %get3A_1038 = tpu.vector_load %arg10[%get3A_1036, %get3A_1037] {strides = array<i32>} : memref<832x128xf32, #tpu.memory_space<vmem>>, vector<1x16xf32>,
        %get3A_1039 = vector.shape_cast %get3A_1038 : vector<1x16xf32> to vector<16xf32>
        %mul3A_1040 = arith.mulf %mul3A_1015, %get3A_1039 : vector<16xf32>
        %add3A_1041 = arith.addf %add3A_971, %mul3A_1040 : vector<16xf32>
        %add3A_1042 = arith.constant 32 : i32
        %add3A_1043 = arith.addi %mul3A_1027, %add3A_1042 : i32
        %get3A_1044 = arith.index_cast %add3A_1018 : i32 to index
        %get3A_1045 = arith.index_cast %add3A_1043 : i32 to index
        %get3A_1046 = tpu.vector_load %arg10[%get3A_1044, %get3A_1045] {strides = array<i32>} : memref<832x128xf32, #tpu.memory_space<vmem>>, vector<1x16xf32>,
        %get3A_1047 = vector.shape_cast %get3A_1046 : vector<1x16xf32> to vector<16xf32>
        %mul3A_1048 = arith.mulf %mul3A_1015, %get3A_1047 : vector<16xf32>
        %add3A_1049 = arith.addf %add3A_979, %mul3A_1048 : vector<16xf32>
        %add3A_1050 = arith.constant 48 : i32
        %add3A_1051 = arith.addi %mul3A_1027, %add3A_1050 : i32
        %get3A_1052 = arith.index_cast %add3A_1018 : i32 to index
        %get3A_1053 = arith.index_cast %add3A_1051 : i32 to index
        %get3A_1054 = tpu.vector_load %arg10[%get3A_1052, %get3A_1053] {strides = array<i32>} : memref<832x128xf32, #tpu.memory_space<vmem>>, vector<1x16xf32>,
        %get3A_1055 = vector.shape_cast %get3A_1054 : vector<1x16xf32> to vector<16xf32>
        %mul3A_1056 = arith.mulf %mul3A_1015, %get3A_1055 : vector<16xf32>
        %add3A_1057 = arith.addf %add3A_987, %mul3A_1056 : vector<16xf32>
        %add3A_1058 = arith.constant 3 : i32
        %add3A_1059 = vector.broadcast %add3A_1058 : i32 to vector<16xi32>
        %add3A_1060 = arith.addi %convert_element_type3A, %add3A_1059 : vector<16xi32>
        %ge3A_1061 = arith.constant 0 : i32
        %ge3A_1062 = vector.broadcast %ge3A_1061 : i32 to vector<16xi32>
        %ge3A_1063 = arith.cmpi sge, %add3A_1060, %ge3A_1062 : vector<16xi32>
        %lt3A_1064 = arith.constant 100000 : i32
        %lt3A_1065 = vector.broadcast %lt3A_1064 : i32 to vector<16xi32>
        %lt3A_1066 = arith.cmpi slt, %add3A_1060, %lt3A_1065 : vector<16xi32>
        %and3A_1067 = arith.andi %ge3A_1063, %lt3A_1066 : vector<16xi1>
        %jit3A_1068 = arith.constant 1.000000e+00 : f32
        %jit3A_1069 = arith.constant 0.000000e+00 : f32
        %broadcast_in_dim3A_1070 = vector.broadcast %jit3A_1068 : f32 to vector<16xf32>
        %broadcast_in_dim3A_1071 = vector.broadcast %jit3A_1069 : f32 to vector<16xf32>
        %select_n3A_1072 = arith.select %and3A_1067, %broadcast_in_dim3A_1070, %broadcast_in_dim3A_1071 : vector<16xi1>, vector<16xf32>
        %add3A_1073 = arith.constant 3.000000e+00 : f32
        %add3A_1074 = vector.broadcast %add3A_1073 : f32 to vector<16xf32>
        %add3A_1075 = arith.addf %convert_element_type3A_424, %add3A_1074 : vector<16xf32>
        %sub3A_1076 = arith.subf %add3A_1075, %broadcast_in_dim3A : vector<16xf32>
        %mul3A_1077 = arith.constant 5.000000e-01 : f32
        %mul3A_1078 = vector.broadcast %mul3A_1077 : f32 to vector<16xf32>
        %mul3A_1079 = arith.mulf %sub3A_1076, %mul3A_1078 : vector<16xf32>
        %mul3A_1080 = arith.constant -5.000000e-01 : f32
        %mul3A_1081 = vector.broadcast %mul3A_1080 : f32 to vector<16xf32>
        %mul3A_1082 = arith.mulf %mul3A_1081, %mul3A_1079 : vector<16xf32>
        %mul3A_1083 = arith.mulf %mul3A_1082, %mul3A_1079 : vector<16xf32>
        %exp3A_1084 = math.exp %mul3A_1083 : vector<16xf32>
        %mul3A_1085 = arith.mulf %exp3A_1084, %select_n3A_1072 : vector<16xf32>
        %add3A_1086 = arith.addf %add3A_1016, %mul3A_1085 : vector<16xf32>
        %add3A_1087 = arith.constant 576 : i32
        %add3A_1088 = arith.addi %add3A_1087, %scan3A_418 : i32
        %get3A_1089 = arith.index_cast %add3A_1088 : i32 to index
        %get3A_1090 = tpu.vector_load %arg8[%get3A_1089] {strides = array<i32>} : memref<848xi32, #tpu.memory_space<vmem>>, vector<16xi32>,
        %get3A_1091 = vector.shape_cast %get3A_1090 : vector<16xi32> to vector<16xi32>
        %slice3A_1092 = vector.extract_strided_slice %get3A_1091 {offsets = [0], sizes = [1], strides = [1]} : vector<16xi32> to vector<1xi32>
        %squeeze3A_1093 = vector.extract %slice3A_1092[0] : i32 from vector<1xi32>
        %and3A_1094 = arith.constant 1 : i32
        %and3A_1095 = arith.andi %squeeze3A_1093, %and3A_1094 : i32
        %mul3A_1096 = arith.constant 64 : i32
        %mul3A_1097 = arith.muli %and3A_1095, %mul3A_1096 : i32
        %get3A_1098 = arith.index_cast %add3A_1088 : i32 to index
        %get3A_1099 = arith.index_cast %mul3A_1097 : i32 to index
        %get3A_1100 = tpu.vector_load %arg10[%get3A_1098, %get3A_1099] {strides = array<i32>} : memref<832x128xf32, #tpu.memory_space<vmem>>, vector<1x16xf32>,
        %get3A_1101 = vector.shape_cast %get3A_1100 : vector<1x16xf32> to vector<16xf32>
        %mul3A_1102 = arith.mulf %mul3A_1085, %get3A_1101 : vector<16xf32>
        %add3A_1103 = arith.addf %add3A_1033, %mul3A_1102 : vector<16xf32>
        %add3A_1104 = arith.constant 16 : i32
        %add3A_1105 = arith.addi %mul3A_1097, %add3A_1104 : i32
        %get3A_1106 = arith.index_cast %add3A_1088 : i32 to index
        %get3A_1107 = arith.index_cast %add3A_1105 : i32 to index
        %get3A_1108 = tpu.vector_load %arg10[%get3A_1106, %get3A_1107] {strides = array<i32>} : memref<832x128xf32, #tpu.memory_space<vmem>>, vector<1x16xf32>,
        %get3A_1109 = vector.shape_cast %get3A_1108 : vector<1x16xf32> to vector<16xf32>
        %mul3A_1110 = arith.mulf %mul3A_1085, %get3A_1109 : vector<16xf32>
        %add3A_1111 = arith.addf %add3A_1041, %mul3A_1110 : vector<16xf32>
        %add3A_1112 = arith.constant 32 : i32
        %add3A_1113 = arith.addi %mul3A_1097, %add3A_1112 : i32
        %get3A_1114 = arith.index_cast %add3A_1088 : i32 to index
        %get3A_1115 = arith.index_cast %add3A_1113 : i32 to index
        %get3A_1116 = tpu.vector_load %arg10[%get3A_1114, %get3A_1115] {strides = array<i32>} : memref<832x128xf32, #tpu.memory_space<vmem>>, vector<1x16xf32>,
        %get3A_1117 = vector.shape_cast %get3A_1116 : vector<1x16xf32> to vector<16xf32>
        %mul3A_1118 = arith.mulf %mul3A_1085, %get3A_1117 : vector<16xf32>
        %add3A_1119 = arith.addf %add3A_1049, %mul3A_1118 : vector<16xf32>
        %add3A_1120 = arith.constant 48 : i32
        %add3A_1121 = arith.addi %mul3A_1097, %add3A_1120 : i32
        %get3A_1122 = arith.index_cast %add3A_1088 : i32 to index
        %get3A_1123 = arith.index_cast %add3A_1121 : i32 to index
        %get3A_1124 = tpu.vector_load %arg10[%get3A_1122, %get3A_1123] {strides = array<i32>} : memref<832x128xf32, #tpu.memory_space<vmem>>, vector<1x16xf32>,
        %get3A_1125 = vector.shape_cast %get3A_1124 : vector<1x16xf32> to vector<16xf32>
        %mul3A_1126 = arith.mulf %mul3A_1085, %get3A_1125 : vector<16xf32>
        %add3A_1127 = arith.addf %add3A_1057, %mul3A_1126 : vector<16xf32>
        %add3A_1128 = arith.constant 4 : i32
        %add3A_1129 = vector.broadcast %add3A_1128 : i32 to vector<16xi32>
        %add3A_1130 = arith.addi %convert_element_type3A, %add3A_1129 : vector<16xi32>
        %ge3A_1131 = arith.constant 0 : i32
        %ge3A_1132 = vector.broadcast %ge3A_1131 : i32 to vector<16xi32>
        %ge3A_1133 = arith.cmpi sge, %add3A_1130, %ge3A_1132 : vector<16xi32>
        %lt3A_1134 = arith.constant 100000 : i32
        %lt3A_1135 = vector.broadcast %lt3A_1134 : i32 to vector<16xi32>
        %lt3A_1136 = arith.cmpi slt, %add3A_1130, %lt3A_1135 : vector<16xi32>
        %and3A_1137 = arith.andi %ge3A_1133, %lt3A_1136 : vector<16xi1>
        %jit3A_1138 = arith.constant 1.000000e+00 : f32
        %jit3A_1139 = arith.constant 0.000000e+00 : f32
        %broadcast_in_dim3A_1140 = vector.broadcast %jit3A_1138 : f32 to vector<16xf32>
        %broadcast_in_dim3A_1141 = vector.broadcast %jit3A_1139 : f32 to vector<16xf32>
        %select_n3A_1142 = arith.select %and3A_1137, %broadcast_in_dim3A_1140, %broadcast_in_dim3A_1141 : vector<16xi1>, vector<16xf32>
        %add3A_1143 = arith.constant 4.000000e+00 : f32
        %add3A_1144 = vector.broadcast %add3A_1143 : f32 to vector<16xf32>
        %add3A_1145 = arith.addf %convert_element_type3A_424, %add3A_1144 : vector<16xf32>
        %sub3A_1146 = arith.subf %add3A_1145, %broadcast_in_dim3A : vector<16xf32>
        %mul3A_1147 = arith.constant 5.000000e-01 : f32
        %mul3A_1148 = vector.broadcast %mul3A_1147 : f32 to vector<16xf32>
        %mul3A_1149 = arith.mulf %sub3A_1146, %mul3A_1148 : vector<16xf32>
        %mul3A_1150 = arith.constant -5.000000e-01 : f32
        %mul3A_1151 = vector.broadcast %mul3A_1150 : f32 to vector<16xf32>
        %mul3A_1152 = arith.mulf %mul3A_1151, %mul3A_1149 : vector<16xf32>
        %mul3A_1153 = arith.mulf %mul3A_1152, %mul3A_1149 : vector<16xf32>
        %exp3A_1154 = math.exp %mul3A_1153 : vector<16xf32>
        %mul3A_1155 = arith.mulf %exp3A_1154, %select_n3A_1142 : vector<16xf32>
        %add3A_1156 = arith.addf %add3A_1086, %mul3A_1155 : vector<16xf32>
        %add3A_1157 = arith.constant 640 : i32
        %add3A_1158 = arith.addi %add3A_1157, %scan3A_418 : i32
        %get3A_1159 = arith.index_cast %add3A_1158 : i32 to index
        %get3A_1160 = tpu.vector_load %arg8[%get3A_1159] {strides = array<i32>} : memref<848xi32, #tpu.memory_space<vmem>>, vector<16xi32>,
        %get3A_1161 = vector.shape_cast %get3A_1160 : vector<16xi32> to vector<16xi32>
        %slice3A_1162 = vector.extract_strided_slice %get3A_1161 {offsets = [0], sizes = [1], strides = [1]} : vector<16xi32> to vector<1xi32>
        %squeeze3A_1163 = vector.extract %slice3A_1162[0] : i32 from vector<1xi32>
        %and3A_1164 = arith.constant 1 : i32
        %and3A_1165 = arith.andi %squeeze3A_1163, %and3A_1164 : i32
        %mul3A_1166 = arith.constant 64 : i32
        %mul3A_1167 = arith.muli %and3A_1165, %mul3A_1166 : i32
        %get3A_1168 = arith.index_cast %add3A_1158 : i32 to index
        %get3A_1169 = arith.index_cast %mul3A_1167 : i32 to index
        %get3A_1170 = tpu.vector_load %arg10[%get3A_1168, %get3A_1169] {strides = array<i32>} : memref<832x128xf32, #tpu.memory_space<vmem>>, vector<1x16xf32>,
        %get3A_1171 = vector.shape_cast %get3A_1170 : vector<1x16xf32> to vector<16xf32>
        %mul3A_1172 = arith.mulf %mul3A_1155, %get3A_1171 : vector<16xf32>
        %add3A_1173 = arith.addf %add3A_1103, %mul3A_1172 : vector<16xf32>
        %add3A_1174 = arith.constant 16 : i32
        %add3A_1175 = arith.addi %mul3A_1167, %add3A_1174 : i32
        %get3A_1176 = arith.index_cast %add3A_1158 : i32 to index
        %get3A_1177 = arith.index_cast %add3A_1175 : i32 to index
        %get3A_1178 = tpu.vector_load %arg10[%get3A_1176, %get3A_1177] {strides = array<i32>} : memref<832x128xf32, #tpu.memory_space<vmem>>, vector<1x16xf32>,
        %get3A_1179 = vector.shape_cast %get3A_1178 : vector<1x16xf32> to vector<16xf32>
        %mul3A_1180 = arith.mulf %mul3A_1155, %get3A_1179 : vector<16xf32>
        %add3A_1181 = arith.addf %add3A_1111, %mul3A_1180 : vector<16xf32>
        %add3A_1182 = arith.constant 32 : i32
        %add3A_1183 = arith.addi %mul3A_1167, %add3A_1182 : i32
        %get3A_1184 = arith.index_cast %add3A_1158 : i32 to index
        %get3A_1185 = arith.index_cast %add3A_1183 : i32 to index
        %get3A_1186 = tpu.vector_load %arg10[%get3A_1184, %get3A_1185] {strides = array<i32>} : memref<832x128xf32, #tpu.memory_space<vmem>>, vector<1x16xf32>,
        %get3A_1187 = vector.shape_cast %get3A_1186 : vector<1x16xf32> to vector<16xf32>
        %mul3A_1188 = arith.mulf %mul3A_1155, %get3A_1187 : vector<16xf32>
        %add3A_1189 = arith.addf %add3A_1119, %mul3A_1188 : vector<16xf32>
        %add3A_1190 = arith.constant 48 : i32
        %add3A_1191 = arith.addi %mul3A_1167, %add3A_1190 : i32
        %get3A_1192 = arith.index_cast %add3A_1158 : i32 to index
        %get3A_1193 = arith.index_cast %add3A_1191 : i32 to index
        %get3A_1194 = tpu.vector_load %arg10[%get3A_1192, %get3A_1193] {strides = array<i32>} : memref<832x128xf32, #tpu.memory_space<vmem>>, vector<1x16xf32>,
        %get3A_1195 = vector.shape_cast %get3A_1194 : vector<1x16xf32> to vector<16xf32>
        %mul3A_1196 = arith.mulf %mul3A_1155, %get3A_1195 : vector<16xf32>
        %add3A_1197 = arith.addf %add3A_1127, %mul3A_1196 : vector<16xf32>
        %add3A_1198 = arith.constant 5 : i32
        %add3A_1199 = vector.broadcast %add3A_1198 : i32 to vector<16xi32>
        %add3A_1200 = arith.addi %convert_element_type3A, %add3A_1199 : vector<16xi32>
        %ge3A_1201 = arith.constant 0 : i32
        %ge3A_1202 = vector.broadcast %ge3A_1201 : i32 to vector<16xi32>
        %ge3A_1203 = arith.cmpi sge, %add3A_1200, %ge3A_1202 : vector<16xi32>
        %lt3A_1204 = arith.constant 100000 : i32
        %lt3A_1205 = vector.broadcast %lt3A_1204 : i32 to vector<16xi32>
        %lt3A_1206 = arith.cmpi slt, %add3A_1200, %lt3A_1205 : vector<16xi32>
        %and3A_1207 = arith.andi %ge3A_1203, %lt3A_1206 : vector<16xi1>
        %jit3A_1208 = arith.constant 1.000000e+00 : f32
        %jit3A_1209 = arith.constant 0.000000e+00 : f32
        %broadcast_in_dim3A_1210 = vector.broadcast %jit3A_1208 : f32 to vector<16xf32>
        %broadcast_in_dim3A_1211 = vector.broadcast %jit3A_1209 : f32 to vector<16xf32>
        %select_n3A_1212 = arith.select %and3A_1207, %broadcast_in_dim3A_1210, %broadcast_in_dim3A_1211 : vector<16xi1>, vector<16xf32>
        %add3A_1213 = arith.constant 5.000000e+00 : f32
        %add3A_1214 = vector.broadcast %add3A_1213 : f32 to vector<16xf32>
        %add3A_1215 = arith.addf %convert_element_type3A_424, %add3A_1214 : vector<16xf32>
        %sub3A_1216 = arith.subf %add3A_1215, %broadcast_in_dim3A : vector<16xf32>
        %mul3A_1217 = arith.constant 5.000000e-01 : f32
        %mul3A_1218 = vector.broadcast %mul3A_1217 : f32 to vector<16xf32>
        %mul3A_1219 = arith.mulf %sub3A_1216, %mul3A_1218 : vector<16xf32>
        %mul3A_1220 = arith.constant -5.000000e-01 : f32
        %mul3A_1221 = vector.broadcast %mul3A_1220 : f32 to vector<16xf32>
        %mul3A_1222 = arith.mulf %mul3A_1221, %mul3A_1219 : vector<16xf32>
        %mul3A_1223 = arith.mulf %mul3A_1222, %mul3A_1219 : vector<16xf32>
        %exp3A_1224 = math.exp %mul3A_1223 : vector<16xf32>
        %mul3A_1225 = arith.mulf %exp3A_1224, %select_n3A_1212 : vector<16xf32>
        %add3A_1226 = arith.addf %add3A_1156, %mul3A_1225 : vector<16xf32>
        %add3A_1227 = arith.constant 704 : i32
        %add3A_1228 = arith.addi %add3A_1227, %scan3A_418 : i32
        %get3A_1229 = arith.index_cast %add3A_1228 : i32 to index
        %get3A_1230 = tpu.vector_load %arg8[%get3A_1229] {strides = array<i32>} : memref<848xi32, #tpu.memory_space<vmem>>, vector<16xi32>,
        %get3A_1231 = vector.shape_cast %get3A_1230 : vector<16xi32> to vector<16xi32>
        %slice3A_1232 = vector.extract_strided_slice %get3A_1231 {offsets = [0], sizes = [1], strides = [1]} : vector<16xi32> to vector<1xi32>
        %squeeze3A_1233 = vector.extract %slice3A_1232[0] : i32 from vector<1xi32>
        %and3A_1234 = arith.constant 1 : i32
        %and3A_1235 = arith.andi %squeeze3A_1233, %and3A_1234 : i32
        %mul3A_1236 = arith.constant 64 : i32
        %mul3A_1237 = arith.muli %and3A_1235, %mul3A_1236 : i32
        %get3A_1238 = arith.index_cast %add3A_1228 : i32 to index
        %get3A_1239 = arith.index_cast %mul3A_1237 : i32 to index
        %get3A_1240 = tpu.vector_load %arg10[%get3A_1238, %get3A_1239] {strides = array<i32>} : memref<832x128xf32, #tpu.memory_space<vmem>>, vector<1x16xf32>,
        %get3A_1241 = vector.shape_cast %get3A_1240 : vector<1x16xf32> to vector<16xf32>
        %mul3A_1242 = arith.mulf %mul3A_1225, %get3A_1241 : vector<16xf32>
        %add3A_1243 = arith.addf %add3A_1173, %mul3A_1242 : vector<16xf32>
        %add3A_1244 = arith.constant 16 : i32
        %add3A_1245 = arith.addi %mul3A_1237, %add3A_1244 : i32
        %get3A_1246 = arith.index_cast %add3A_1228 : i32 to index
        %get3A_1247 = arith.index_cast %add3A_1245 : i32 to index
        %get3A_1248 = tpu.vector_load %arg10[%get3A_1246, %get3A_1247] {strides = array<i32>} : memref<832x128xf32, #tpu.memory_space<vmem>>, vector<1x16xf32>,
        %get3A_1249 = vector.shape_cast %get3A_1248 : vector<1x16xf32> to vector<16xf32>
        %mul3A_1250 = arith.mulf %mul3A_1225, %get3A_1249 : vector<16xf32>
        %add3A_1251 = arith.addf %add3A_1181, %mul3A_1250 : vector<16xf32>
        %add3A_1252 = arith.constant 32 : i32
        %add3A_1253 = arith.addi %mul3A_1237, %add3A_1252 : i32
        %get3A_1254 = arith.index_cast %add3A_1228 : i32 to index
        %get3A_1255 = arith.index_cast %add3A_1253 : i32 to index
        %get3A_1256 = tpu.vector_load %arg10[%get3A_1254, %get3A_1255] {strides = array<i32>} : memref<832x128xf32, #tpu.memory_space<vmem>>, vector<1x16xf32>,
        %get3A_1257 = vector.shape_cast %get3A_1256 : vector<1x16xf32> to vector<16xf32>
        %mul3A_1258 = arith.mulf %mul3A_1225, %get3A_1257 : vector<16xf32>
        %add3A_1259 = arith.addf %add3A_1189, %mul3A_1258 : vector<16xf32>
        %add3A_1260 = arith.constant 48 : i32
        %add3A_1261 = arith.addi %mul3A_1237, %add3A_1260 : i32
        %get3A_1262 = arith.index_cast %add3A_1228 : i32 to index
        %get3A_1263 = arith.index_cast %add3A_1261 : i32 to index
        %get3A_1264 = tpu.vector_load %arg10[%get3A_1262, %get3A_1263] {strides = array<i32>} : memref<832x128xf32, #tpu.memory_space<vmem>>, vector<1x16xf32>,
        %get3A_1265 = vector.shape_cast %get3A_1264 : vector<1x16xf32> to vector<16xf32>
        %mul3A_1266 = arith.mulf %mul3A_1225, %get3A_1265 : vector<16xf32>
        %add3A_1267 = arith.addf %add3A_1197, %mul3A_1266 : vector<16xf32>
        %add3A_1268 = arith.constant 6 : i32
        %add3A_1269 = vector.broadcast %add3A_1268 : i32 to vector<16xi32>
        %add3A_1270 = arith.addi %convert_element_type3A, %add3A_1269 : vector<16xi32>
        %ge3A_1271 = arith.constant 0 : i32
        %ge3A_1272 = vector.broadcast %ge3A_1271 : i32 to vector<16xi32>
        %ge3A_1273 = arith.cmpi sge, %add3A_1270, %ge3A_1272 : vector<16xi32>
        %lt3A_1274 = arith.constant 100000 : i32
        %lt3A_1275 = vector.broadcast %lt3A_1274 : i32 to vector<16xi32>
        %lt3A_1276 = arith.cmpi slt, %add3A_1270, %lt3A_1275 : vector<16xi32>
        %and3A_1277 = arith.andi %ge3A_1273, %lt3A_1276 : vector<16xi1>
        %jit3A_1278 = arith.constant 1.000000e+00 : f32
        %jit3A_1279 = arith.constant 0.000000e+00 : f32
        %broadcast_in_dim3A_1280 = vector.broadcast %jit3A_1278 : f32 to vector<16xf32>
        %broadcast_in_dim3A_1281 = vector.broadcast %jit3A_1279 : f32 to vector<16xf32>
        %select_n3A_1282 = arith.select %and3A_1277, %broadcast_in_dim3A_1280, %broadcast_in_dim3A_1281 : vector<16xi1>, vector<16xf32>
        %add3A_1283 = arith.constant 6.000000e+00 : f32
        %add3A_1284 = vector.broadcast %add3A_1283 : f32 to vector<16xf32>
        %add3A_1285 = arith.addf %convert_element_type3A_424, %add3A_1284 : vector<16xf32>
        %sub3A_1286 = arith.subf %add3A_1285, %broadcast_in_dim3A : vector<16xf32>
        %mul3A_1287 = arith.constant 5.000000e-01 : f32
        %mul3A_1288 = vector.broadcast %mul3A_1287 : f32 to vector<16xf32>
        %mul3A_1289 = arith.mulf %sub3A_1286, %mul3A_1288 : vector<16xf32>
        %mul3A_1290 = arith.constant -5.000000e-01 : f32
        %mul3A_1291 = vector.broadcast %mul3A_1290 : f32 to vector<16xf32>
        %mul3A_1292 = arith.mulf %mul3A_1291, %mul3A_1289 : vector<16xf32>
        %mul3A_1293 = arith.mulf %mul3A_1292, %mul3A_1289 : vector<16xf32>
        %exp3A_1294 = math.exp %mul3A_1293 : vector<16xf32>
        %mul3A_1295 = arith.mulf %exp3A_1294, %select_n3A_1282 : vector<16xf32>
        %add3A_1296 = arith.addf %add3A_1226, %mul3A_1295 : vector<16xf32>
        %add3A_1297 = arith.constant 768 : i32
        %add3A_1298 = arith.addi %add3A_1297, %scan3A_418 : i32
        %get3A_1299 = arith.index_cast %add3A_1298 : i32 to index
        %get3A_1300 = tpu.vector_load %arg8[%get3A_1299] {strides = array<i32>} : memref<848xi32, #tpu.memory_space<vmem>>, vector<16xi32>,
        %get3A_1301 = vector.shape_cast %get3A_1300 : vector<16xi32> to vector<16xi32>
        %slice3A_1302 = vector.extract_strided_slice %get3A_1301 {offsets = [0], sizes = [1], strides = [1]} : vector<16xi32> to vector<1xi32>
        %squeeze3A_1303 = vector.extract %slice3A_1302[0] : i32 from vector<1xi32>
        %and3A_1304 = arith.constant 1 : i32
        %and3A_1305 = arith.andi %squeeze3A_1303, %and3A_1304 : i32
        %mul3A_1306 = arith.constant 64 : i32
        %mul3A_1307 = arith.muli %and3A_1305, %mul3A_1306 : i32
        %get3A_1308 = arith.index_cast %add3A_1298 : i32 to index
        %get3A_1309 = arith.index_cast %mul3A_1307 : i32 to index
        %get3A_1310 = tpu.vector_load %arg10[%get3A_1308, %get3A_1309] {strides = array<i32>} : memref<832x128xf32, #tpu.memory_space<vmem>>, vector<1x16xf32>,
        %get3A_1311 = vector.shape_cast %get3A_1310 : vector<1x16xf32> to vector<16xf32>
        %mul3A_1312 = arith.mulf %mul3A_1295, %get3A_1311 : vector<16xf32>
        %add3A_1313 = arith.addf %add3A_1243, %mul3A_1312 : vector<16xf32>
        %add3A_1314 = arith.constant 16 : i32
        %add3A_1315 = arith.addi %mul3A_1307, %add3A_1314 : i32
        %get3A_1316 = arith.index_cast %add3A_1298 : i32 to index
        %get3A_1317 = arith.index_cast %add3A_1315 : i32 to index
        %get3A_1318 = tpu.vector_load %arg10[%get3A_1316, %get3A_1317] {strides = array<i32>} : memref<832x128xf32, #tpu.memory_space<vmem>>, vector<1x16xf32>,
        %get3A_1319 = vector.shape_cast %get3A_1318 : vector<1x16xf32> to vector<16xf32>
        %mul3A_1320 = arith.mulf %mul3A_1295, %get3A_1319 : vector<16xf32>
        %add3A_1321 = arith.addf %add3A_1251, %mul3A_1320 : vector<16xf32>
        %add3A_1322 = arith.constant 32 : i32
        %add3A_1323 = arith.addi %mul3A_1307, %add3A_1322 : i32
        %get3A_1324 = arith.index_cast %add3A_1298 : i32 to index
        %get3A_1325 = arith.index_cast %add3A_1323 : i32 to index
        %get3A_1326 = tpu.vector_load %arg10[%get3A_1324, %get3A_1325] {strides = array<i32>} : memref<832x128xf32, #tpu.memory_space<vmem>>, vector<1x16xf32>,
        %get3A_1327 = vector.shape_cast %get3A_1326 : vector<1x16xf32> to vector<16xf32>
        %mul3A_1328 = arith.mulf %mul3A_1295, %get3A_1327 : vector<16xf32>
        %add3A_1329 = arith.addf %add3A_1259, %mul3A_1328 : vector<16xf32>
        %add3A_1330 = arith.constant 48 : i32
        %add3A_1331 = arith.addi %mul3A_1307, %add3A_1330 : i32
        %get3A_1332 = arith.index_cast %add3A_1298 : i32 to index
        %get3A_1333 = arith.index_cast %add3A_1331 : i32 to index
        %get3A_1334 = tpu.vector_load %arg10[%get3A_1332, %get3A_1333] {strides = array<i32>} : memref<832x128xf32, #tpu.memory_space<vmem>>, vector<1x16xf32>,
        %get3A_1335 = vector.shape_cast %get3A_1334 : vector<1x16xf32> to vector<16xf32>
        %mul3A_1336 = arith.mulf %mul3A_1295, %get3A_1335 : vector<16xf32>
        %add3A_1337 = arith.addf %add3A_1267, %mul3A_1336 : vector<16xf32>
        %max3A = arith.constant 9.99999993E-9 : f32
        %max3A_1338 = vector.broadcast %max3A : f32 to vector<16xf32>
        %max3A_1339 = arith.maximumf %add3A_1296, %max3A_1338 : vector<16xf32>
        %div3A = arith.constant 1.000000e+00 : f32
        %div3A_1340 = vector.broadcast %div3A : f32 to vector<16xf32>
        %div3A_1341 = arith.divf %div3A_1340, %max3A_1339 : vector<16xf32>
        %mul3A_1342 = arith.mulf %add3A_1313, %div3A_1341 : vector<16xf32>
        %swap3A = arith.index_cast %scan3A_418 : i32 to index
        %swap3A_1343 = arith.constant 0 : index
        %swap3A_1344 = tpu.vector_load %arg11[%swap3A, %swap3A_1343] {strides = array<i32>} : memref<64x64xf32, #tpu.memory_space<vmem>>, vector<1x16xf32>,
        %swap3A_1345 = vector.shape_cast %swap3A_1344 : vector<1x16xf32> to vector<16xf32>
        %swap3A_1346 = vector.shape_cast %mul3A_1342 : vector<16xf32> to vector<1x16xf32>
        tpu.vector_store %arg11[%swap3A, %swap3A_1343], %swap3A_1346 {strides = array<i32>} : memref<64x64xf32, #tpu.memory_space<vmem>>, vector<1x16xf32>,
        %mul3A_1347 = arith.mulf %add3A_1321, %div3A_1341 : vector<16xf32>
        %swap3A_1348 = arith.index_cast %scan3A_418 : i32 to index
        %swap3A_1349 = arith.constant 16 : index
        %swap3A_1350 = tpu.vector_load %arg11[%swap3A_1348, %swap3A_1349] {strides = array<i32>} : memref<64x64xf32, #tpu.memory_space<vmem>>, vector<1x16xf32>,
        %swap3A_1351 = vector.shape_cast %swap3A_1350 : vector<1x16xf32> to vector<16xf32>
        %swap3A_1352 = vector.shape_cast %mul3A_1347 : vector<16xf32> to vector<1x16xf32>
        tpu.vector_store %arg11[%swap3A_1348, %swap3A_1349], %swap3A_1352 {strides = array<i32>} : memref<64x64xf32, #tpu.memory_space<vmem>>, vector<1x16xf32>,
        %mul3A_1353 = arith.mulf %add3A_1329, %div3A_1341 : vector<16xf32>
        %swap3A_1354 = arith.index_cast %scan3A_418 : i32 to index
        %swap3A_1355 = arith.constant 32 : index
        %swap3A_1356 = tpu.vector_load %arg11[%swap3A_1354, %swap3A_1355] {strides = array<i32>} : memref<64x64xf32, #tpu.memory_space<vmem>>, vector<1x16xf32>,
        %swap3A_1357 = vector.shape_cast %swap3A_1356 : vector<1x16xf32> to vector<16xf32>
        %swap3A_1358 = vector.shape_cast %mul3A_1353 : vector<16xf32> to vector<1x16xf32>
        tpu.vector_store %arg11[%swap3A_1354, %swap3A_1355], %swap3A_1358 {strides = array<i32>} : memref<64x64xf32, #tpu.memory_space<vmem>>, vector<1x16xf32>,
        %mul3A_1359 = arith.mulf %add3A_1337, %div3A_1341 : vector<16xf32>
        %swap3A_1360 = arith.index_cast %scan3A_418 : i32 to index
        %swap3A_1361 = arith.constant 48 : index
        %swap3A_1362 = tpu.vector_load %arg11[%swap3A_1360, %swap3A_1361] {strides = array<i32>} : memref<64x64xf32, #tpu.memory_space<vmem>>, vector<1x16xf32>,
        %swap3A_1363 = vector.shape_cast %swap3A_1362 : vector<1x16xf32> to vector<16xf32>
        %swap3A_1364 = vector.shape_cast %mul3A_1359 : vector<16xf32> to vector<1x16xf32>
        tpu.vector_store %arg11[%swap3A_1360, %swap3A_1361], %swap3A_1364 {strides = array<i32>} : memref<64x64xf32, #tpu.memory_space<vmem>>, vector<1x16xf32>,
      }
      %scan3A_414 = arith.constant 64 : i32
      %mul3A_415 = arith.constant 64 : i32
      %mul3A_416 = arith.muli %scan3A_14, %mul3A_415 : i32
      %add3A_417 = arith.addi %mul3A_2, %mul3A_416 : i32
      "tpu.region"() ({
        %run_scoped3A = tpu.sem_alloc : memref<!tpu.dma_semaphore, #tpu.memory_space<semaphore_mem>>
        %dma_start3A_418 = arith.constant 0 : i32
        %dma_start3A_419 = tpu.memref_slice %arg5[%add3A_417, %dma_start3A_418] : memref<16384x64xf32, #tpu.memory_space<hbm>> -> memref<64x64xf32, #tpu.memory_space<hbm>>
        %dma_start3A_420 = arith.constant 0 : i32
        %dma_start3A_421 = tpu.memref_slice %arg5[%add3A_417, %dma_start3A_420] : memref<16384x64xf32, #tpu.memory_space<hbm>> -> memref<64x64xf32, #tpu.memory_space<hbm>>
        tpu.enqueue_dma source(%arg11 : memref<64x64xf32, #tpu.memory_space<vmem>>) target(%dma_start3A_421 : memref<64x64xf32, #tpu.memory_space<hbm>>) target_semaphore(%run_scoped3A : memref<!tpu.dma_semaphore, #tpu.memory_space<semaphore_mem>>)
        %dma_wait3A_422 = arith.constant 0 : i32
        %dma_wait3A_423 = tpu.memref_slice %arg5[%add3A_417, %dma_wait3A_422] : memref<16384x64xf32, #tpu.memory_space<hbm>> -> memref<64x64xf32, #tpu.memory_space<hbm>>
        %dma_wait3A_424 = arith.constant 0 : i32
        %dma_wait3A_425 = tpu.memref_slice %arg5[%add3A_417, %dma_wait3A_424] : memref<16384x64xf32, #tpu.memory_space<hbm>> -> memref<64x64xf32, #tpu.memory_space<hbm>>
        tpu.wait_dma2 semaphore(%run_scoped3A : memref<!tpu.dma_semaphore, #tpu.memory_space<semaphore_mem>>) src(%arg11 : memref<64x64xf32, #tpu.memory_space<vmem>>) dst(%dma_wait3A_425 : memref<64x64xf32, #tpu.memory_space<hbm>>)
        tpu.yield
      }) : () -> ()
    }
    %scan3A_13 = arith.constant 8 : i32
    return
  }
}

</mosaic_0001>

<sc_bundles>
// kernel: kernel.3.cloned.1.call-start
scs
__scs_entry_jumppad:
0x0: {  	(pc) =	sbr.rel $0x88, $3  }
0x1: {  	(tag) =	ssettag $0x0;
	lr =	simm.s32 $0x1  }
0x2: {  	[smem:$0x3F9E] =	sst lr;
	_ =	strace $0xD0000000  }
0x3: {  	_ = 	snop  }
0x4: {  	_ = 	snop  }
0x5: {  	_ = 	snop  }
0x6: {  	_ = 	snop  }
0x7: {  	_ = 	snop  }
__scs_overlays_trampoline_lowered:
0x8: {  	[smem:$0x3FAD] =	sst s0  }
0x9: {  	[smem:$0x3FAE] =	sst s1  }
0xa: {  	[smem:$0x3FAF] =	sst s2  }
0xb: {  	[smem:$0x3FB0] =	sst s3  }
0xc: {  	[smem:$0x3FB1] =	sst s4  }
0xd: {  	[smem:$0x3FB2] =	sst s5  }
0xe: {  	[smem:$0x3FB3] =	sst s6  }
0xf: {  	[smem:$0x3FB4] =	sst s7  }
0x10: {  	[smem:$0x3FB5] =	sst s8  }
0x11: {  	[smem:$0x3FB6] =	sst s9;
	s0 =	simm.s32 @!p0 $0x0  }
0x12: {  	s1 =	sld [smem:$0x3F9C];
	s0 =	simm.s32 @p0 $0x1  }
0x13: {  	[smem:$0x3FB7] =	sst s0;
	s0 =	simm.s32 @!p1 $0x0  }
0x14: {  	s2 =	sld [smem:$0x3F9B];
	s0 =	simm.s32 @p1 $0x1  }
0x15: {  	[smem:$0x3FB8] =	sst s0;
	s0 =	simm.s32 @!p2 $0x0  }
0x16: {  	s3 =	sld [smem:$0x3FDB];
	s0 =	simm.s32 @p2 $0x1  }
0x17: {  	s4 =	simm.s32 $0x1BF5;
	[smem:$0x3FBA] =	sst s0  }
0x18: {  	s0 =	sld [smem:$0x3F9D];
	_ =	swait.ge [sflag:s4], $0x0  }
0x19: {  	s7 =	sld [smem:$0x3F9E]  }
0x1a: {  	s8 =	sadd.s32 $0xFFFFE003, lr  }
0x1b: {  	s9 =	sadd.s32 $0xFFFFFEF7, lr;
	s5 =	simm.s32 $0xFFFFFFFF;
	p2 =	slt.u32 s8, $0xFFFFF086  }
0x1c: {  	p1 =	slt.u32 s9, $0xF7A;
	s5 =	simm.s32 @!p2 $0x0  }
0x1d: {  	s5 =	simm.s32 @p1 $0x1;
	p0 =	seq.s32 s7, s2  }
0x1e: {  	s7 =	smul.u32 @!p0 $0xF7A, s2;
	p2 =	seq.s32 @!p0 s5, $0x0  }
0x1f: {  	s9 =	smul.u32 $0xF7A, s1;
	s8 =	simm.s32 @!p0 $0x1BF5;
	p2 =	por !p2, p0  }
0x20: {  	[sflag:s8] =	ssyncset.s32 @!p0 $0xFFFFF086;
	s6 =	sadd.s32 @!p0 s3, s7;
	s7 =	simm.s32 @!p0 $0x108  }
0x21: {  	s3 =	sadd.s32 s3, s9;
	s6 =	sadd.s32 @!p0 $0x88, s6;
	s7 =	simm.s32 @p2 $0x1082  }
0x22: {  	[simem:s7], [sflag:s8] =	dma.local @!p0 [hbm:s6], $0xF7A  }
0x23: {  	s9 =	sor.u32 $0xD0000000, s2;
	s6 =	simm.s32 $0x108;
	_ =	swait.ge @!p0 [sflag:s8], $0x0  }
0x24: {  	s3 =	sadd.s32 $0x88, s3;
	s6 =	simm.s32 @!p1 $0x1082;
	[sflag:s4] =	ssyncset.s32 $0xFFFFF086  }
0x25: {  	[simem:s6], [sflag:s4] =	dma.local [hbm:s3], $0xF7A  }
0x26: {  	[smem:$0x3F9E] =	sst s1;
	(tag) =	ssettag s2;
	_ =	strace s9  }
0x27: {  	s1 =	sld [smem:$0x3FAE]  }
0x28: {  	s2 =	sld [smem:$0x3FAF]  }
0x29: {  	s4 =	sld [smem:$0x3FB1]  }
0x2a: {  	p0 =	seq.s32 s5, $0x0;
	s5 =	sld [smem:$0x3FB2]  }
0x2b: {  	s6 =	sld [smem:$0x3FB3]  }
0x2c: {  	s7 =	sld [smem:$0x3FB4]  }
0x2d: {  	s3 =	simm.s32 $0x108;
	s8 =	sld [smem:$0x3FB5]  }
0x2e: {  	s3 =	simm.s32 @!p0 $0x1082;
	s9 =	sld [smem:$0x3FB6]  }
0x2f: {  	lr =	sadd.s32 s0, s3;
	s0 =	sld [smem:$0x3FAD]  }
0x30: {  	s3 =	sld [smem:$0x3FB0]  }
0x31: {  	[smem:$0x3FB9] =	sst s10  }
0x32: {  	s10 =	sld [smem:$0x3FB7];
	_ =	sdelay $0x3  }
0x33: {  	p0 =	seq.s32 s10, $0x1;
	s10 =	sld [smem:$0x3FB9];
	_ =	sdelay $0x3  }
0x34: {  	[smem:$0x3FB9] =	sst s10  }
0x35: {  	s10 =	sld [smem:$0x3FB8];
	_ =	sdelay $0x3  }
0x36: {  	p1 =	seq.s32 s10, $0x1;
	s10 =	sld [smem:$0x3FB9];
	_ =	sdelay $0x3  }
0x37: {  	[smem:$0x3FB9] =	sst s10  }
0x38: {  	s10 =	sld [smem:$0x3FBA]  }
0x39: {  	_ = 	snop;
	(pc) =	sbr.ind lr, $3  }
0x3a: {  	_ = 	snop  }
0x3b: {  	_ = 	snop  }
0x3c: {  	p2 =	seq.s32 s10, $0x1;
	s10 =	sld [smem:$0x3FB9]  }
0x3d: {  	_ =	shalt  }
0x3e: {  	_ =	shalt  }
0x3f: {  	_ =	shalt  }
0x40: {  	_ =	shalt  }
0x41: {  	_ =	shalt  }
0x42: {  	_ =	shalt  }
0x43: {  	_ =	shalt  }
0x44: {  	_ =	shalt  }
0x45: {  	_ =	shalt  }
0x46: {  	_ =	shalt  }
0x47: {  	_ =	shalt  }
0x48: {  	_ =	shalt  }
0x49: {  	_ =	shalt  }
0x4a: {  	_ =	shalt  }
0x4b: {  	_ =	shalt  }
0x4c: {  	_ =	shalt  }
0x4d: {  	_ =	shalt  }
0x4e: {  	_ =	shalt  }
0x4f: {  	_ =	shalt  }
0x50: {  	_ =	shalt  }
0x51: {  	_ =	shalt  }
0x52: {  	_ =	shalt  }
0x53: {  	_ =	shalt  }
0x54: {  	_ =	shalt  }
0x55: {  	_ =	shalt  }
0x56: {  	_ =	shalt  }
0x57: {  	_ =	shalt  }
0x58: {  	_ =	shalt  }
0x59: {  	_ =	shalt  }
0x5a: {  	_ =	shalt  }
0x5b: {  	_ =	shalt  }
0x5c: {  	_ =	shalt  }
0x5d: {  	_ =	shalt  }
0x5e: {  	_ =	shalt  }
0x5f: {  	_ =	shalt  }
0x60: {  	_ =	shalt  }
0x61: {  	_ =	shalt  }
0x62: {  	_ =	shalt  }
0x63: {  	_ =	shalt  }
0x64: {  	_ =	shalt  }
0x65: {  	_ =	shalt  }
0x66: {  	_ =	shalt  }
0x67: {  	_ =	shalt  }
0x68: {  	_ =	shalt  }
0x69: {  	_ =	shalt  }
0x6a: {  	_ =	shalt  }
0x6b: {  	_ =	shalt  }
0x6c: {  	_ =	shalt  }
0x6d: {  	_ =	shalt  }
0x6e: {  	_ =	shalt  }
0x6f: {  	_ =	shalt  }
0x70: {  	_ =	shalt  }
0x71: {  	_ =	shalt  }
0x72: {  	_ =	shalt  }
0x73: {  	_ =	shalt  }
0x74: {  	_ =	shalt  }
0x75: {  	_ =	shalt  }
0x76: {  	_ =	shalt  }
0x77: {  	_ =	shalt  }
0x78: {  	_ =	shalt  }
0x79: {  	_ =	shalt  }
0x7a: {  	_ =	shalt  }
0x7b: {  	_ =	shalt  }
0x7c: {  	_ =	shalt  }
0x7d: {  	_ =	shalt  }
0x7e: {  	_ =	shalt  }
0x7f: {  	_ =	shalt  }
0x80: {  	_ =	shalt  }
0x81: {  	_ =	shalt  }
0x82: {  	_ =	shalt  }
0x83: {  	_ =	shalt  }
0x84: {  	_ =	shalt  }
0x85: {  	_ =	shalt  }
0x86: {  	_ =	shalt  }
0x87: {  	_ =	shalt  }
.Lfunc_end0:
.L_simem_size_0:
called_computation_lowered:
.L_overlay_start_0:
0x88: {  	s2 =	sld [smem:$0x3FD9]  }
0x89: {  	s3 =	sld [smem:$0x3FFE];
	_ =	sdelay $0x1  }
0x8a: {  	s1 =	srdreg.scid  }
0x8b: {  	s0 =	sand.u32 $0x1, s1  }
0x8c: {  	s17 =	sshll.u32 s0, $0xA;
	s2 =	sadd.s32 s3, s2  }
0x8d: {  	s2 =	sadd.s32 s2, s17  }
0x8e: {  	[smem:$0x3FC5] =	sst s2  }
0x8f: {  	_ = 	snop  }
0x90: {  	s2 =	sld [smem:$0x3FC9]  }
0x91: {  	s18 =	sld [smem:$0x3FC8];
	(tm) =	ssettm $0x1  }
0x92: {  	s4 =	sld [smem:$0x3FFB];
	_ =	sdelay $0x3  }
0x93: {  	_ =	strace s4  }
0x94: {  	s4 =	sld [smem:$0x3FFC];
	_ =	sdelay $0x3  }
0x95: {  	_ =	strace s4  }
0x96: {  	s4 =	sld [smem:$0x3FFD];
	_ =	sdelay $0x3  }
0x97: {  	_ =	strace s4  }
0x98: {  	_ =	strace $0x8FFFFFFF  }
0x99: {  	s19 =	sld [smem:$0x3FDB];
	_ =	sdelay $0x1  }
0x9a: {  	s5 =	simm.s32 $_scs_section_size  }
0x9b: {  	s6 =	simm.s32 $_size__tile_overlayer_lowered;
	s7 =	simm.s32 $_tile_overlayer_lowered  }
0x9c: {  	s22 =	simm.s32 $0x1BFF;
	s21 =	sshll.u32 s7, $0x1;
	s4 =	sadd.s32 s5, s19  }
0x9d: {  	s8 =	simm.s32 $0x0;
	s20 =	sshll.u32 s6, $0x1;
	s6 =	sadd.s32 s21, s4  }
0x9e: {  	[timem:s8], [sflag:s22] =	dma.local [hbm:s6], s20  }
0x9f: {  	_ =	swait.ge [sflag:s22], s20  }
0xa0: {  	s5 =	ssub.s32 $0x0, s20;
	[sflag:s22] =	ssyncset.done $0x0  }
0xa1: {  	[sflag:s22] =	ssyncadd.s32 s5;
	_ =	sdelay $0x1  }
0xa2: {  	s23 =	simm.s32 $0x1B8B  }
0xa3: {  	_ =	swait.ge [sflag:s23], $0x1  }
0xa4: {  	[sflag:s23] =	ssyncset.done $0x0  }
0xa5: {  	s25 =	simm.s32 $0x1B8E;
	s24 =	sld [smem:$0x3FFE];
	[sflag:s23] =	ssyncadd.s32 $0xFFFFFFFF  }
0xa6: {  	s26 =	simm.s32 $execute0_lowered;
	[smem:$0x3FD2] =	sst s25  }
0xa7: {  	s6 =	sshll.u32 s26, $0x1;
	_ =	strace $0x80000046;
	[dreg:$0x1] =	wrdreg $0xFFFFFFFF  }
0xa8: {  	s28 =	simm.s32 $_size_execute0_lowered;
	s4 =	sadd.s32 s4, s6;
	[dreg:$0x0] =	wrdreg $0x0  }
0xa9: {  	s6 =	sshll.u32 s28, $0x1;
	[dreg:$0x2] =	wrdreg s4  }
0xaa: {  	[dreg:$0x3] =	wrdreg s6  }
0xab: {  	[dreg:$0x4] =	wrdreg $0xC0  }
0xac: {  	_ =	task [dreg:s8], $0x5FFFF  }
0xad: {  	[dreg:$0x1] =	wrdreg $0xFFFFFFFF  }
0xae: {  	[dreg:$0x0] =	wrdreg $0x60  }
0xaf: {  	[dreg:$0x2] =	wrdreg s2  }
0xb0: {  	[dreg:$0x3] =	wrdreg s18  }
0xb1: {  	[dreg:$0x4] =	wrdreg s24  }
0xb2: {  	[dreg:$0x5] =	wrdreg $0x9  }
0xb3: {  	_ =	task.clear_ibuf [dreg:s8], $0x6FFFF;
	_ =	strace $0x90000046  }
0xb4: {  	s29 =	simm.s32 $0x9;
	_ =	strace $0x80000048  }
0xb5: {  	_ =	swait.ge [sflag:s29], $0x1  }
0xb6: {  	[sflag:s29] =	ssyncadd.s32 $0xFFFFFFFF  }
0xb7: {  	_ =	strace $0x90000048  }
0xb8: {  	_ =	sfence  }
0xb9: {  	s30 =	sld [smem:$0x0];
	_ =	sdelay $0x2  }
0xba: {  	s31 =	sshll.u32 s1, $0xD;
	s1 =	sshrl.u32 s1, $0x2  }
0xbb: {  	s3 =	sand.u32 $0x4000, s31;
	s1 =	sadd.s32 s1, s30  }
0xbc: {  	s0 =	sor.u32 s3, s0;
	s1 =	sshll.u32 s1, $0x11  }
0xbd: {  	s0 =	sor.u32 s1, s0  }
0xbe: {  	s0 =	sadd.s32 $0x8F2B, s0  }
0xbf: {  	[sflag:s0] =	ssyncadd.remote.s32 $0x1  }
0xc0: {  	_ =	sfence.sel $0xFFFF  }
0xc1: {  	[dreg:$0x0] =	wrdreg $0xFFFFFFFF;
	(pc) =	sbr.abs _section_cstart, $3  }
0xc2: {  	[dreg:$0x1] =	wrdreg $0xFFFFFFFF  }
0xc3: {  	_ =	task.clear_ibuf [dreg:s8], $0x2FFFF;
	_ =	strace $0x9FFFFFFF  }
0xc4: {  	(tm) =	ssettm $0x7FFFFFFF  }
0xc5: {  	_ =	shalt  }
tec
execute0_lowered:
.L_overlay_start_1:
0x0: {  	(tag) =	ssettag $0x1  }
0x1: {  	s0 =	rddreg [dreg:$0x0]  }
0x2: {  	s1 =	rddreg [dreg:$0x1]  }
0x3: {  	s2 =	rddreg [dreg:$0x2]  }
0x4: {  	s4 =	srdreg.scid;
	s3 =	simm.s32 $0x0;
	s5 =	stileid.u32  }
0x5: {  	s10 =	simm.s32 $0x40;
	s24 =	simm.s32 $0x1;
	s15 =	simm.s32 $0x21C0  }
0x6: {  	s16 =	simm.s32 $0x10380;
	s17 =	simm.s32 $0x2200;
	s18 =	simm.s32 $0x12380  }
0x7: {  	s19 =	simm.s32 $0x2240;
	s20 =	simm.s32 $0x14380;
	s21 =	simm.s32 $0x2280  }
0x8: {  	s22 =	simm.s32 $0x16380;
	s23 =	simm.s32 $0x22C0;
	s25 =	simm.s32 $0x18380  }
0x9: {  	s26 =	simm.s32 $0x2300;
	s28 =	simm.s32 $0x1A380;
	s4 =	sand.u32 $0x1, s4  }
0xa: {  	s29 =	simm.s32 $0x1C380;
	s5 =	sshll.u32 s5, $0xA;
	s6 =	sshll.u32 s4, $0x9  }
0xb: {  	[smem:$0x7FF] =	sst s3;
	s7 =	ssub.s32 $0x2, s4;
	s4 =	sor.u32 s6, s5  }
0xc: {  	_ =	strace $0x80000047;
	s8 =	sshrl.u32 s7, $0x1;
	s9 =	sshrl.u32 s4, $0x3  }
0xd: {  	s5 =	sadd.s32 $0xF42800, s2;
	s30 =	ssub.s32 s7, s8;
	s0 =	sadd.s32 s0, s9  }
0xe: {  	s6 =	sadd.s32 $0x400, s2;
	s31 =	smax.u32 s30, $0x1;
	[dreg:$0x4] =	wrdreg s0  }
0xf: {  	v0 =	vimm.f32 $0.0e+00;
	s2 =	simm.s32 $0x0;
	s9 =	simm.s32 $0x2;
	[dreg:$0x5] =	wrdreg s31  }
.LBB2_1:
0x10: {  	[dreg:$0x6] =	wrdreg s2  }
0x11: {  	s0 =	rddreg [dreg:$0x4]  }
0x12: {  	[tilespmem:s3], [sflag:$0x2] =	stream.linear.gather [hbm4b:s0+s3], $0x200, $0x38;
	[tilespmem:$0x1E380] =	vst v63  }
0x13: {  	_ =	swait.ge [sflag:s9], $0x200  }
0x14: {  	[sflag:s9] =	ssyncset.done $0x0  }
0x15: {  	[sflag:s9] =	ssyncadd.s32 $0xFFFFFE00  }
0x16: {  	v1 =	vld [tilespmem:s3+$0x0];
	_ =	sdelay $0x4  }
0x17: {  	v1 =	vtrunc.f32 v1  }
0x18: {  	v1 =	vcvt.f32.s32 v1;
	_ =	sdelay $0x1  }
0x19: {  	v2 =	vadd.s32 $0xFFFFFFFA, v1;
	v3 =	vadd.s32 $0xFFFFFFFC, v1;
	v5 =	vadd.s32 $0xFFFFFFFF, v1  }
0x1a: {  	v6 =	vadd.s32 $0x2, v1;
	v4 =	vadd.s32 $0xFFFFFFFD, v1;
	vm0 =	vgt.s32 v2, $0x0  }
0x1b: {  	v8 =	vadd.s32 $0x5, v1;
	vm1 =	vgt.s32 v3, $0x0;
	v2 =	vnsel vm0, $0x0, v2  }
0x1c: {  	s31 =	simm.s32 $0x280;
	s30 =	simm.s32 $0x10;
	v7 =	vnsel vm1, $0x0, v3;
	v3 =	vadd.s32 $0x3, v1;
	v2 =	vmin.u32 v2, $0x1869F  }
0x1d: {  	s2 =	simm.s32 $0x290;
	s7 =	simm.s32 $0x0;
	s0 =	sand.u32 $0x1F0, s3;
	v9 =	vmin.u32 v7, $0x1869F;
	v7 =	vadd.s32 $0x4, v1;
	[tilespmem:s31+$0x0] =	vst v2;
	v2 =	vadd.s32 $0x1, v1  }
.LBB2_2:
0x1e: {  	s11 =	smov.u32 s30  }
0x1f: {  	s8 =	sand.u32 $0x1F0, s30;
	v10 =	vadd.s32 $0xFFFFFFFE, v1;
	vm0 =	vgt.s32 v6, $0x0;
	v11 =	vadd.s32 $0x6, v1;
	s7 =	sadd.s32 $0x10, s7;
	s11 =	sadd.s32 $0x10, s30  }
0x20: {  	p0 =	sne.s32 s30, $0x1F0;
	vm2 =	vgt.s32 v8, $0x0;
	vm1 =	vgt.s32 v10, $0x0;
	vm3 =	vgt.s32 v11, $0x0;
	[tilespmem:s0+$0x680] =	vst v9  }
0x21: {  	vm4 =	vgt.s32 v3, $0x0;
	v6 =	vnsel vm0, $0x0, v6;
	v8 =	vnsel vm2, $0x0, v8  }
0x22: {  	vm0 =	vgt.s32 v1, $0x0;
	vm2 =	vgt.s32 v7, $0x0;
	v8 =	vmin.u32 v8, $0x1869F  }
0x23: {  	vm5 =	vgt.s32 v5, $0x0;
	v6 =	vmin.u32 v6, $0x1869F;
	v7 =	vnsel vm2, $0x0, v7  }
0x24: {  	v9 =	vadd.s32 $0xFFFFFFFB, v1;
	v10 =	vnsel vm1, $0x0, v10;
	[tilespmem:s0+$0x1280] =	vst v6;
	v6 =	vmin.u32 v7, $0x1869F  }
0x25: {  	vm1 =	vgt.s32 v9, $0x0;
	v7 =	vmin.u32 v10, $0x1869F;
	[tilespmem:s0+$0x1880] =	vst v8;
	v8 =	vnsel vm3, $0x0, v11  }
0x26: {  	v5 =	vnsel vm5, $0x0, v5;
	v3 =	vnsel vm4, $0x0, v3;
	vm2 =	vgt.s32 v4, $0x0;
	[tilespmem:s0+$0x1680] =	vst v6  }
0x27: {  	v3 =	vmin.u32 v3, $0x1869F;
	v4 =	vnsel vm2, $0x0, v4;
	v6 =	vmin.u32 v8, $0x1869F;
	[tilespmem:s0+$0xA80] =	vst v7  }
0x28: {  	v5 =	vmin.u32 v5, $0x1869F;
	v4 =	vmin.u32 v4, $0x1869F;
	v7 =	vnsel vm1, $0x0, v9;
	[tilespmem:s0+$0x1A80] =	vst v6  }
0x29: {  	v1 =	vnsel vm0, $0x0, v1;
	vm0 =	vgt.s32 v2, $0x0;
	v6 =	vmin.u32 v7, $0x1869F;
	[tilespmem:s0+$0xC80] =	vst v5  }
0x2a: {  	v1 =	vmin.u32 v1, $0x1869F;
	v2 =	vnsel vm0, $0x0, v2;
	[tilespmem:s0+$0x480] =	vst v6  }
0x2b: {  	[tilespmem:s0+$0xE80] =	vst v1;
	v1 =	vmin.u32 v2, $0x1869F  }
0x2c: {  	[tilespmem:s0+$0x1080] =	vst v1  }
0x2d: {  	[tilespmem:s0+$0x1480] =	vst v3  }
0x2e: {  	[tilespmem:s0+$0x880] =	vst v4;
	s0 =	smov.u32 s8  }
0x2f: {  	v1 =	vld [tilespmem:s7+$0x0];
	_ =	sdelay $0x4  }
0x30: {  	v1 =	vtrunc.f32 v1  }
0x31: {  	v1 =	vcvt.f32.s32 v1;
	_ =	sdelay $0x1  }
.Ltmp0:
0x32: {  	v2 =	vadd.s32 $0xFFFFFFFA, v1;
	v3 =	vadd.s32 $0xFFFFFFFC, v1;
	v5 =	vadd.s32 $0xFFFFFFFF, v1;
	(pc) =	sbr.rel @p0 .LBB2_2-.Ltmp0, $4  }
0x33: {  	v6 =	vadd.s32 $0x2, v1;
	vm0 =	vgt.s32 v2, $0x0;
	vm1 =	vgt.s32 v3, $0x0  }
0x34: {  	v2 =	vnsel vm0, $0x0, v2;
	v7 =	vnsel vm1, $0x0, v3;
	v3 =	vadd.s32 $0x3, v1  }
0x35: {  	v4 =	vadd.s32 $0xFFFFFFFD, v1;
	v8 =	vadd.s32 $0x5, v1;
	v2 =	vmin.u32 v2, $0x1869F  }
0x36: {  	s30 =	smov.u32 s11;
	s8 =	simm.s32 $0x0;
	v9 =	vmin.u32 v7, $0x1869F;
	v7 =	vadd.s32 $0x4, v1;
	[tilespmem:s2+$0x0] =	vst v2;
	v2 =	vadd.s32 $0x1, v1;
	s2 =	sadd.s32 $0x10, s2  }
0x37: {  	v10 =	vadd.s32 $0xFFFFFFFE, v1;
	vm0 =	vgt.s32 v6, $0x0;
	v11 =	vadd.s32 $0x6, v1  }
0x38: {  	vm2 =	vgt.s32 v8, $0x0;
	vm8 =	vgt.s32 v7, $0x0;
	v6 =	vnsel vm0, $0x0, v6  }
0x39: {  	[tilespmem:s0+$0x680] =	vst v9;
	vm10 =	vgt.s32 v5, $0x0;
	v8 =	vnsel vm2, $0x0, v8;
	v6 =	vmin.u32 v6, $0x1869F  }
0x3a: {  	v59 =	vadd.s32 $0xFFFFFFFB, v1;
	v7 =	vnsel vm8, $0x0, v7;
	v8 =	vmin.u32 v8, $0x1869F;
	[tilespmem:s0+$0x1280] =	vst v6  }
0x3b: {  	vm12 =	vgt.s32 v1, $0x0;
	v5 =	vnsel vm10, $0x0, v5;
	v7 =	vmin.u32 v7, $0x1869F;
	[tilespmem:s0+$0x1880] =	vst v8  }
0x3c: {  	vm14 =	vgt.s32 v3, $0x0;
	v1 =	vnsel vm12, $0x0, v1;
	v5 =	vmin.u32 v5, $0x1869F;
	[tilespmem:s0+$0x1680] =	vst v7  }
0x3d: {  	vm1 =	vgt.s32 v10, $0x0;
	v3 =	vnsel vm14, $0x0, v3;
	v1 =	vmin.u32 v1, $0x1869F;
	[tilespmem:s0+$0xC80] =	vst v5  }
0x3e: {  	vm9 =	vgt.s32 v11, $0x0;
	v58 =	vnsel vm1, $0x0, v10;
	v3 =	vmin.u32 v3, $0x1869F;
	[tilespmem:s0+$0xE80] =	vst v1  }
0x3f: {  	vm11 =	vgt.s32 v59, $0x0;
	v60 =	vnsel vm9, $0x0, v11;
	v6 =	vmin.u32 v58, $0x1869F;
	[tilespmem:s0+$0x1480] =	vst v3  }
0x40: {  	vm13 =	vgt.s32 v2, $0x0;
	v62 =	vnsel vm11, $0x0, v59;
	v61 =	vmin.u32 v60, $0x1869F;
	[tilespmem:s0+$0xA80] =	vst v6  }
0x41: {  	vm15 =	vgt.s32 v4, $0x0;
	v2 =	vnsel vm13, $0x0, v2;
	v63 =	vmin.u32 v62, $0x1869F;
	[tilespmem:s0+$0x1A80] =	vst v61  }
0x42: {  	v1 =	vmin.u32 v2, $0x1869F;
	v2 =	vnsel vm15, $0x0, v4;
	[tilespmem:s0+$0x480] =	vst v63  }
0x43: {  	[tilespmem:s0+$0x1080] =	vst v1;
	v1 =	vmin.u32 v2, $0x1869F  }
0x44: {  	s31 =	simm.s32 $0x0;
	[tilespmem:s0+$0x880] =	vst v1  }
.LBB2_4:
0x45: {  	s0 =	sshll.u32 s31, $0x6  }
0x46: {  	s7 =	simm.s32 $0x1C80;
	s2 =	sadd.s32 $0x280, s0  }
0x47: {  	[tilespmem:s7], [sflag:$0x1] =	stream.indirect.gather [hbm4b:s1+s10], $0x1, s2, s10, $0xb8;
	[tilespmem:$0x1E380] =	vst v63  }
0x48: {  	s11 =	simm.s32 $0x1CC0;
	s7 =	sadd.s32 $0x480, s0  }
0x49: {  	[tilespmem:s11], [sflag:$0x1] =	stream.indirect.gather [hbm4b:s1+s10], $0x1, s7, s10, $0xb8;
	[tilespmem:$0x1E380] =	vst v63  }
0x4a: {  	s13 =	simm.s32 $0x1D00;
	s12 =	sadd.s32 $0x680, s0  }
0x4b: {  	[tilespmem:s13], [sflag:$0x1] =	stream.indirect.gather [hbm4b:s1+s10], $0x1, s12, s10, $0xb8;
	[tilespmem:$0x1E380] =	vst v63  }
0x4c: {  	s30 =	simm.s32 $0x1D40;
	s14 =	sadd.s32 $0x880, s0  }
0x4d: {  	[tilespmem:s30], [sflag:$0x1] =	stream.indirect.gather [hbm4b:s1+s10], $0x1, s14, s10, $0xb8;
	[tilespmem:$0x1E380] =	vst v63  }
0x4e: {  	s7 =	sadd.s32 $0xA80, s0;
	s11 =	simm.s32 $0x1D80  }
0x4f: {  	[tilespmem:s11], [sflag:$0x1] =	stream.indirect.gather [hbm4b:s1+s10], $0x1, s7, s10, $0xb8;
	[tilespmem:$0x1E380] =	vst v63  }
0x50: {  	s12 =	sadd.s32 $0xC80, s0;
	s13 =	simm.s32 $0x1DC0  }
0x51: {  	[tilespmem:s13], [sflag:$0x1] =	stream.indirect.gather [hbm4b:s1+s10], $0x1, s12, s10, $0xb8;
	[tilespmem:$0x1E380] =	vst v63  }
0x52: {  	s14 =	sadd.s32 $0xE80, s0;
	s30 =	simm.s32 $0x1E00  }
0x53: {  	[tilespmem:s30], [sflag:$0x1] =	stream.indirect.gather [hbm4b:s1+s10], $0x1, s14, s10, $0xb8;
	[tilespmem:$0x1E380] =	vst v63  }
0x54: {  	s7 =	sadd.s32 $0x1080, s0;
	s11 =	simm.s32 $0x1E40  }
0x55: {  	[tilespmem:s11], [sflag:$0x1] =	stream.indirect.gather [hbm4b:s1+s10], $0x1, s7, s10, $0xb8;
	[tilespmem:$0x1E380] =	vst v63  }
0x56: {  	s12 =	sadd.s32 $0x1280, s0;
	s13 =	simm.s32 $0x1E80  }
0x57: {  	[tilespmem:s13], [sflag:$0x1] =	stream.indirect.gather [hbm4b:s1+s10], $0x1, s12, s10, $0xb8;
	[tilespmem:$0x1E380] =	vst v63  }
0x58: {  	s14 =	sadd.s32 $0x1480, s0;
	s30 =	simm.s32 $0x1EC0  }
0x59: {  	[tilespmem:s30], [sflag:$0x1] =	stream.indirect.gather [hbm4b:s1+s10], $0x1, s14, s10, $0xb8;
	[tilespmem:$0x1E380] =	vst v63  }
0x5a: {  	s7 =	sadd.s32 $0x1680, s0;
	s11 =	simm.s32 $0x1F00  }
0x5b: {  	[tilespmem:s11], [sflag:$0x1] =	stream.indirect.gather [hbm4b:s1+s10], $0x1, s7, s10, $0xb8;
	[tilespmem:$0x1E380] =	vst v63  }
0x5c: {  	s12 =	sadd.s32 $0x1880, s0;
	s13 =	simm.s32 $0x1F40  }
0x5d: {  	[tilespmem:s13], [sflag:$0x1] =	stream.indirect.gather [hbm4b:s1+s10], $0x1, s12, s10, $0xb8;
	[tilespmem:$0x1E380] =	vst v63  }
0x5e: {  	s14 =	sadd.s32 $0x1A80, s0;
	s30 =	simm.s32 $0x1F80  }
0x5f: {  	[tilespmem:s30], [sflag:$0x1] =	stream.indirect.gather [hbm4b:s1+s10], $0x1, s14, s10, $0xb8;
	[tilespmem:$0x1E380] =	vst v63  }
0x60: {  	_ =	swait.ge [sflag:s24], $0x40  }
0x61: {  	[sflag:s24] =	ssyncset.done $0x0  }
0x62: {  	[sflag:s24] =	ssyncadd.s32 $0xFFFFFFC0  }
0x63: {  	_ =	swait.ge [sflag:s24], $0x40  }
0x64: {  	[sflag:s24] =	ssyncset.done $0x0  }
0x65: {  	[sflag:s24] =	ssyncadd.s32 $0xFFFFFFC0  }
0x66: {  	_ =	swait.ge [sflag:s24], $0x40  }
0x67: {  	[sflag:s24] =	ssyncset.done $0x0  }
0x68: {  	[sflag:s24] =	ssyncadd.s32 $0xFFFFFFC0  }
0x69: {  	_ =	swait.ge [sflag:s24], $0x40  }
0x6a: {  	[sflag:s24] =	ssyncset.done $0x0  }
0x6b: {  	[sflag:s24] =	ssyncadd.s32 $0xFFFFFFC0  }
0x6c: {  	_ =	swait.ge [sflag:s24], $0x40  }
0x6d: {  	[sflag:s24] =	ssyncset.done $0x0  }
0x6e: {  	[sflag:s24] =	ssyncadd.s32 $0xFFFFFFC0  }
0x6f: {  	_ =	swait.ge [sflag:s24], $0x40  }
0x70: {  	[sflag:s24] =	ssyncset.done $0x0  }
0x71: {  	[sflag:s24] =	ssyncadd.s32 $0xFFFFFFC0  }
0x72: {  	_ =	swait.ge [sflag:s24], $0x40  }
0x73: {  	[sflag:s24] =	ssyncset.done $0x0  }
0x74: {  	[sflag:s24] =	ssyncadd.s32 $0xFFFFFFC0  }
0x75: {  	_ =	swait.ge [sflag:s24], $0x40  }
0x76: {  	[sflag:s24] =	ssyncset.done $0x0  }
0x77: {  	[sflag:s24] =	ssyncadd.s32 $0xFFFFFFC0  }
0x78: {  	_ =	swait.ge [sflag:s24], $0x40  }
0x79: {  	[sflag:s24] =	ssyncset.done $0x0  }
0x7a: {  	[sflag:s24] =	ssyncadd.s32 $0xFFFFFFC0  }
0x7b: {  	_ =	swait.ge [sflag:s24], $0x40  }
0x7c: {  	[sflag:s24] =	ssyncset.done $0x0  }
0x7d: {  	[sflag:s24] =	ssyncadd.s32 $0xFFFFFFC0  }
0x7e: {  	_ =	swait.ge [sflag:s24], $0x40  }
0x7f: {  	[sflag:s24] =	ssyncset.done $0x0  }
0x80: {  	[sflag:s24] =	ssyncadd.s32 $0xFFFFFFC0  }
0x81: {  	_ =	swait.ge [sflag:s24], $0x40  }
0x82: {  	[sflag:s24] =	ssyncset.done $0x0  }
0x83: {  	[sflag:s24] =	ssyncadd.s32 $0xFFFFFFC0  }
0x84: {  	_ =	swait.ge [sflag:s24], $0x40  }
0x85: {  	[sflag:s24] =	ssyncset.done $0x0  }
0x86: {  	s2 =	simm.s32 $0x0;
	[sflag:s24] =	ssyncadd.s32 $0xFFFFFFC0  }
0x87: {  	s7 =	simm.s32 $0x40;
	v1 =	vld [tilespmem:s2+$0x1C80]  }
.LBB2_5:
0x88: {  	p0 =	sne.s32 s7, $0xCC0  }
.Ltmp1:
0x89: {  	_ = 	snop;
	(pc) =	sbr.rel @p0 .LBB2_5-.Ltmp1, $3  }
0x8a: {  	_ =	sdelay $0x1  }
0x8b: {  	s11 =	sshra.s32 s7, $0x2;
	s7 =	sadd.s32 $0x40, s7;
	v2 =	vshra.s32 v1, $0x1  }
0x8c: {  	v1 =	vld [tilespmem:s11+$0x1C80];
	[tilespmem:s2+$0x2000] =	vst v2;
	s2 =	smov.u32 s11  }
0x8d: {  	_ =	sdelay $0x3  }
0x8e: {  	v1 =	vshra.s32 v1, $0x1  }
0x8f: {  	s14 =	simm.s32 $0x2000;
	s7 =	simm.s32 $0x2380;
	[tilespmem:s2+$0x2000] =	vst v1  }
0x90: {  	[tilespmem:s7], [sflag:$0x1] =	stream.indirect.gather [hbm4b:s5+s10], $0x80, s14, s10, $0xb8;
	[tilespmem:$0x1E380] =	vst v63  }
0x91: {  	s11 =	simm.s32 $0x2040;
	s12 =	simm.s32 $0x4380  }
0x92: {  	[tilespmem:s12], [sflag:$0x1] =	stream.indirect.gather [hbm4b:s5+s10], $0x80, s11, s10, $0xb8;
	[tilespmem:$0x1E380] =	vst v63  }
0x93: {  	s13 =	simm.s32 $0x2080;
	s14 =	simm.s32 $0x6380  }
0x94: {  	[tilespmem:s14], [sflag:$0x1] =	stream.indirect.gather [hbm4b:s5+s10], $0x80, s13, s10, $0xb8;
	[tilespmem:$0x1E380] =	vst v63  }
0x95: {  	s11 =	simm.s32 $0x20C0;
	s12 =	simm.s32 $0x8380  }
0x96: {  	[tilespmem:s12], [sflag:$0x1] =	stream.indirect.gather [hbm4b:s5+s10], $0x80, s11, s10, $0xb8;
	[tilespmem:$0x1E380] =	vst v63  }
0x97: {  	s13 =	simm.s32 $0x2100;
	s14 =	simm.s32 $0xA380  }
0x98: {  	[tilespmem:s14], [sflag:$0x1] =	stream.indirect.gather [hbm4b:s5+s10], $0x80, s13, s10, $0xb8;
	[tilespmem:$0x1E380] =	vst v63  }
0x99: {  	s11 =	simm.s32 $0x2140;
	s12 =	simm.s32 $0xC380  }
0x9a: {  	[tilespmem:s12], [sflag:$0x1] =	stream.indirect.gather [hbm4b:s5+s10], $0x80, s11, s10, $0xb8;
	[tilespmem:$0x1E380] =	vst v63  }
0x9b: {  	s13 =	simm.s32 $0x2180;
	s14 =	simm.s32 $0xE380  }
0x9c: {  	[tilespmem:s14], [sflag:$0x1] =	stream.indirect.gather [hbm4b:s5+s10], $0x80, s13, s10, $0xb8;
	[tilespmem:$0x1E380] =	vst v63  }
0x9d: {  	_ = 	snop  }
0x9e: {  	[tilespmem:s16], [sflag:$0x1] =	stream.indirect.gather [hbm4b:s5+s10], $0x80, s15, s10, $0xb8;
	[tilespmem:$0x1E380] =	vst v63  }
0x9f: {  	_ = 	snop  }
0xa0: {  	[tilespmem:s18], [sflag:$0x1] =	stream.indirect.gather [hbm4b:s5+s10], $0x80, s17, s10, $0xb8;
	[tilespmem:$0x1E380] =	vst v63  }
0xa1: {  	_ = 	snop  }
0xa2: {  	[tilespmem:s20], [sflag:$0x1] =	stream.indirect.gather [hbm4b:s5+s10], $0x80, s19, s10, $0xb8;
	[tilespmem:$0x1E380] =	vst v63  }
0xa3: {  	_ = 	snop  }
0xa4: {  	[tilespmem:s22], [sflag:$0x1] =	stream.indirect.gather [hbm4b:s5+s10], $0x80, s21, s10, $0xb8;
	[tilespmem:$0x1E380] =	vst v63  }
0xa5: {  	_ = 	snop  }
0xa6: {  	[tilespmem:s25], [sflag:$0x1] =	stream.indirect.gather [hbm4b:s5+s10], $0x80, s23, s10, $0xb8;
	[tilespmem:$0x1E380] =	vst v63  }
0xa7: {  	_ = 	snop  }
0xa8: {  	[tilespmem:s28], [sflag:$0x1] =	stream.indirect.gather [hbm4b:s5+s10], $0x80, s26, s10, $0xb8;
	[tilespmem:$0x1E380] =	vst v63  }
0xa9: {  	_ =	swait.ge [sflag:s24], $0x2000  }
0xaa: {  	[sflag:s24] =	ssyncset.done $0x0  }
0xab: {  	[sflag:s24] =	ssyncadd.s32 $0xFFFFE000  }
0xac: {  	_ =	swait.ge [sflag:s24], $0x2000  }
0xad: {  	[sflag:s24] =	ssyncset.done $0x0  }
0xae: {  	[sflag:s24] =	ssyncadd.s32 $0xFFFFE000  }
0xaf: {  	_ =	swait.ge [sflag:s24], $0x2000  }
0xb0: {  	[sflag:s24] =	ssyncset.done $0x0  }
0xb1: {  	[sflag:s24] =	ssyncadd.s32 $0xFFFFE000  }
0xb2: {  	_ =	swait.ge [sflag:s24], $0x2000  }
0xb3: {  	[sflag:s24] =	ssyncset.done $0x0  }
0xb4: {  	[sflag:s24] =	ssyncadd.s32 $0xFFFFE000  }
0xb5: {  	_ =	swait.ge [sflag:s24], $0x2000  }
0xb6: {  	[sflag:s24] =	ssyncset.done $0x0  }
0xb7: {  	[sflag:s24] =	ssyncadd.s32 $0xFFFFE000  }
0xb8: {  	_ =	swait.ge [sflag:s24], $0x2000  }
0xb9: {  	[sflag:s24] =	ssyncset.done $0x0  }
0xba: {  	[sflag:s24] =	ssyncadd.s32 $0xFFFFE000  }
0xbb: {  	_ =	swait.ge [sflag:s24], $0x2000  }
0xbc: {  	[sflag:s24] =	ssyncset.done $0x0  }
0xbd: {  	[sflag:s24] =	ssyncadd.s32 $0xFFFFE000  }
0xbe: {  	_ =	swait.ge [sflag:s24], $0x2000  }
0xbf: {  	[sflag:s24] =	ssyncset.done $0x0  }
0xc0: {  	[sflag:s24] =	ssyncadd.s32 $0xFFFFE000  }
0xc1: {  	_ =	swait.ge [sflag:s24], $0x2000  }
0xc2: {  	[sflag:s24] =	ssyncset.done $0x0  }
0xc3: {  	[sflag:s24] =	ssyncadd.s32 $0xFFFFE000  }
0xc4: {  	_ =	swait.ge [sflag:s24], $0x2000  }
0xc5: {  	[sflag:s24] =	ssyncset.done $0x0  }
0xc6: {  	[sflag:s24] =	ssyncadd.s32 $0xFFFFE000  }
0xc7: {  	_ =	swait.ge [sflag:s24], $0x2000  }
0xc8: {  	[sflag:s24] =	ssyncset.done $0x0  }
0xc9: {  	[sflag:s24] =	ssyncadd.s32 $0xFFFFE000  }
0xca: {  	_ =	swait.ge [sflag:s24], $0x2000  }
0xcb: {  	[sflag:s24] =	ssyncset.done $0x0  }
0xcc: {  	[sflag:s24] =	ssyncadd.s32 $0xFFFFE000  }
0xcd: {  	_ =	swait.ge [sflag:s24], $0x2000  }
0xce: {  	s30 =	smov.u32 s8;
	[sflag:s24] =	ssyncset.done $0x0  }
0xcf: {  	s2 =	simm.s32 $0x0;
	s7 =	simm.s32 $0x1E00;
	[sflag:s24] =	ssyncadd.s32 $0xFFFFE000  }
.LBB2_7:
0xd0: {  	v2 =	vld.msk [tilespmem:s30+$0x0 ss:$0x0], $0xffff;
	_ =	sdelay $0x3  }
0xd1: {  	v4 =	vld [tilespmem:s7+$0xFFFFFE80]  }
0xd2: {  	v1 =	vtrunc.f32 v2  }
0xd3: {  	v1 =	vcvt.f32.s32 v1;
	_ =	sdelay $0x1  }
0xd4: {  	v3 =	vcvt.s32.f32 v1  }
0xd5: {  	v37 =	vld [tilespmem:s7+$0xFFFFFEC0];
	(v2sf) =	vpush v4, $0x0  }
0xd6: {  	v5 =	vadd.f32 $-6.000000000e+00, v3  }
0xd7: {  	v39 =	vld [tilespmem:s7+$0xFFFFFF00]  }
0xd8: {  	v42 =	vld [tilespmem:s7+$0xFFFFFF40];
	v36 =	vsub.f32 v5, v2;
	_ =	sdelay $0x1  }
0xd9: {  	(v2sf) =	vpush v37, $0x0;
	v4 =	vmul.f32 $5.000000000e-01, v36;
	_ =	sdelay $0x1  }
0xda: {  	(v2sf) =	vpush v39, $0x0;
	v38 =	vadd.f32 $-5.000000000e+00, v3;
	v6 =	vmul.f32 $-5.000000000e-01, v4  }
0xdb: {  	v43 =	vadd.s32 $0xFFFFFFFA, v1;
	(v2sf) =	vpush v42, $0x0;
	v50 =	vadd.s32 $0xFFFFFFFB, v1  }
0xdc: {  	v57 =	vadd.s32 $0xFFFFFFFC, v1;
	v4 =	vmul.f32 v6, v4;
	v6 =	vsub.f32 v38, v2  }
0xdd: {  	v28 =	vadd.s32 $0xFFFFFFFD, v1;
	v37 =	vadd.s32 $0xFFFFFFFE, v1;
	vm9 =	vlt.u32 v1, $0x186A0  }
0xde: {  	vm0 =	vlt.u32 v43, $0x186A0;
	v4 =	vmul.f32 $1.442695020e+00, v4;
	v40 =	vmul.f32 $5.000000000e-01, v6  }
0xdf: {  	vm4 =	vlt.u32 v50, $0x186A0;
	vm5 =	vlt.u32 v57, $0x186A0;
	v7 =	vadd.f32 $-4.000000000e+00, v3  }
0xe0: {  	vm6 =	vlt.u32 v28, $0x186A0;
	(erf) = vpow2.f32 v4;
	v6 =	vmul.f32 $-5.000000000e-01, v40  }
0xe1: {  	vm7 =	vlt.u32 v37, $0x186A0;
	v9 =	vsel vm0, $0x3F800000, v0;
	v41 =	vsub.f32 v7, v2  }
0xe2: {  	v47 =	vld [tilespmem:s7+$0xFFFFFF80];
	v46 =	vadd.f32 $-3.000000000e+00, v3;
	v14 =	vadd.f32 $-2.000000000e+00, v3;
	s11 =	spop (v2sf);
	v4 =	vmul.f32 v6, v40  }
0xe3: {  	v53 =	vld [tilespmem:s7+$0xFFFFFFC0];
	v54 =	vsel vm4, $0x3F800000, v0;
	v20 =	vadd.f32 $-1.000000000e+00, v3;
	v5 =	vmul.f32 $5.000000000e-01, v41;
	s11 =	sand.u32 $0x1, s11  }
0xe4: {  	v61 =	vsel vm5, $0x3F800000, v0;
	v14 =	vsub.f32 v14, v2;
	s12 =	sshll.u32 s11, $0x6;
	s11 =	sshra.s32 s2, $0x2;
	v4 =	vmul.f32 $1.442695020e+00, v4  }
0xe5: {  	v17 =	vld [tilespmem:s7+$0x0];
	v26 =	vsub.f32 v3, v2;
	v31 =	vsel vm6, $0x3F800000, v0;
	v45 =	vmul.f32 $-5.000000000e-01, v5;
	s12 =	sadd.s32 s11, s12  }
0xe6: {  	v63 =	vsub.f32 v20, v2;
	v14 =	vmul.f32 $5.000000000e-01, v14;
	v8 =	vld [tilespmem:s12+$0x2380];
	(erf) = vpow2.f32 v4  }
0xe7: {  	s13 =	spop (v2sf);
	(v2sf) =	vpush v47, $0x0;
	v44 =	vld [tilespmem:s12+$0x2390];
	v4 =	vmul.f32 v45, v5;
	v5 =	vsub.f32 v46, v2  }
0xe8: {  	v20 =	vmul.f32 $5.000000000e-01, v63;
	v19 =	vmul.f32 $-5.000000000e-01, v14;
	s13 =	sand.u32 $0x1, s13;
	(v2sf) =	vpush v53, $0x0;
	v48 =	vld [tilespmem:s12+$0x23A0]  }
0xe9: {  	v57 =	vadd.f32 $1.000000000e+00, v3;
	v11 =	vld [tilespmem:s12+$0x23B0];
	s12 =	sshll.u32 s13, $0x6;
	v4 =	vmul.f32 $1.442695020e+00, v4;
	v49 =	vmul.f32 $5.000000000e-01, v5;
	v10 =	vpop (erf)  }
0xea: {  	v37 =	vadd.f32 $5.000000000e+00, v3;
	v24 =	vmul.f32 $-5.000000000e-01, v20;
	s12 =	sadd.s32 s11, s12;
	v9 =	vmul.f32 v10, v9  }
0xeb: {  	v47 =	vadd.s32 $0xFFFFFFFF, v1;
	v13 =	vld [tilespmem:s12+$0x4380];
	(erf) = vpow2.f32 v4;
	v52 =	vmul.f32 $-5.000000000e-01, v49  }
0xec: {  	v62 =	vmul.f32 v19, v14;
	s14 =	spop (v2sf);
	vm8 =	vlt.u32 v47, $0x186A0;
	(v2sf) =	vpush v17, $0x0;
	v16 =	vld [tilespmem:s12+$0x4390]  }
0xed: {  	v40 =	vsel vm7, $0x3F800000, v0;
	v55 =	vld [tilespmem:s12+$0x43A0];
	v8 =	vmul.f32 v9, v8;
	v4 =	vmul.f32 v52, v49  }
0xee: {  	s13 =	sand.u32 $0x1, s14;
	v18 =	vld [tilespmem:s12+$0x43B0];
	v7 =	vmul.f32 v9, v44;
	v12 =	vadd.f32 $0.0e+00, v9;
	v51 =	vmul.f32 v9, v48  }
0xef: {  	s13 =	sshll.u32 s13, $0x6;
	v9 =	vmul.f32 v9, v11;
	v52 =	vsel vm8, $0x3F800000, v0;
	v4 =	vmul.f32 $1.442695020e+00, v4;
	v15 =	vpop (erf)  }
0xf0: {  	s12 =	sadd.s32 s11, s13;
	v8 =	vadd.f32 $0.0e+00, v8;
	v7 =	vadd.f32 $0.0e+00, v7;
	v11 =	vmul.f32 v15, v54  }
0xf1: {  	v58 =	vld [tilespmem:s12+$0x6380];
	v6 =	vadd.f32 $0.0e+00, v51;
	(erf) = vpow2.f32 v4;
	v4 =	vmul.f32 $1.442695020e+00, v62  }
0xf2: {  	v45 =	vld [tilespmem:s7+$0x40];
	v56 =	vadd.f32 $0.0e+00, v9;
	v59 =	vmul.f32 v11, v13;
	v60 =	vmul.f32 v11, v16  }
0xf3: {  	s14 =	spop (v2sf);
	v22 =	vld [tilespmem:s12+$0x6390];
	v12 =	vadd.f32 v12, v11;
	v15 =	vmul.f32 v11, v55;
	v11 =	vmul.f32 v11, v18  }
0xf4: {  	s13 =	sand.u32 $0x1, s14;
	v23 =	vld [tilespmem:s12+$0x63B0];
	v62 =	vsel vm9, $0x3F800000, v0;
	(erf) = vpow2.f32 v4;
	v4 =	vmul.f32 v24, v20;
	v21 =	vpop (erf)  }
0xf5: {  	s13 =	sshll.u32 s13, $0x6;
	v16 =	vmul.f32 v21, v61;
	v8 =	vadd.f32 v8, v59;
	v7 =	vadd.f32 v7, v60;
	v21 =	vld [tilespmem:s12+$0x63A0]  }
0xf6: {  	s14 =	spop (v2sf);
	v6 =	vadd.f32 v6, v15;
	v5 =	vadd.f32 v56, v11;
	s12 =	sadd.s32 s11, s13;
	v15 =	vmul.f32 $5.000000000e-01, v26;
	v61 =	vld [tilespmem:s7+$0x80]  }
0xf7: {  	s13 =	sand.u32 $0x1, s14;
	v4 =	vmul.f32 $1.442695020e+00, v4;
	s14 =	spop (v2sf);
	(v2sf) =	vpush v45, $0x0;
	v27 =	vld [tilespmem:s12+$0x8380];
	v9 =	vmul.f32 v58, v16  }
0xf8: {  	v60 =	vsub.f32 v57, v2;
	v29 =	vld [tilespmem:s12+$0x8390];
	v25 =	vmul.f32 v22, v16;
	v34 =	vmul.f32 $-5.000000000e-01, v15  }
0xf9: {  	v30 =	vld [tilespmem:s12+$0x83A0];
	v12 =	vadd.f32 v12, v16;
	v14 =	vmul.f32 v23, v16;
	(erf) = vpow2.f32 v4  }
0xfa: {  	v33 =	vld [tilespmem:s12+$0x83B0];
	s13 =	sshll.u32 s13, $0x6;
	v8 =	vadd.f32 v8, v9;
	v7 =	vadd.f32 v25, v7;
	v15 =	vmul.f32 v34, v15;
	v32 =	vpop (erf)  }
0xfb: {  	s12 =	sadd.s32 s11, s13;
	v25 =	vadd.f32 $2.000000000e+00, v3;
	v13 =	vmul.f32 v21, v16;
	v35 =	vmul.f32 v32, v31  }
0xfc: {  	v38 =	vld [tilespmem:s12+$0xA380];
	v36 =	vadd.f32 v14, v5;
	(v2sf) =	vpush v61, $0x0;
	v15 =	vmul.f32 $1.442695020e+00, v15  }
0xfd: {  	v39 =	vld [tilespmem:s12+$0xA390];
	v28 =	vsub.f32 v25, v2;
	v6 =	vadd.f32 v13, v6;
	v9 =	vmul.f32 v27, v35  }
0xfe: {  	s13 =	sand.u32 $0x1, s14;
	v42 =	vld [tilespmem:s12+$0xA3A0];
	v41 =	vpop (erf);
	v11 =	vmul.f32 v29, v35;
	v10 =	vmul.f32 v30, v35;
	v12 =	vadd.f32 v12, v35  }
0xff: {  	v43 =	vld [tilespmem:s12+$0xA3B0];
	s12 =	sshll.u32 s13, $0x6;
	v13 =	vmul.f32 v33, v35;
	v16 =	vmul.f32 v41, v40;
	v30 =	vadd.f32 $3.000000000e+00, v3  }
0x100: {  	s12 =	sadd.s32 s11, s12;
	(erf) = vpow2.f32 v15;
	v33 =	vadd.f32 $4.000000000e+00, v3;
	v3 =	vadd.f32 $6.000000000e+00, v3  }
0x101: {  	v48 =	vld [tilespmem:s12+$0xC380];
	v31 =	vmul.f32 $5.000000000e-01, v28;
	v8 =	vadd.f32 v9, v8;
	v7 =	vadd.f32 v11, v7  }
0x102: {  	v50 =	vld [tilespmem:s12+$0xC390];
	v6 =	vadd.f32 v10, v6;
	v4 =	vadd.f32 v13, v36;
	v44 =	vmul.f32 v38, v16  }
0x103: {  	v54 =	vld [tilespmem:s12+$0xC3A0];
	v46 =	vadd.f32 v12, v16;
	v5 =	vmul.f32 v39, v16;
	v49 =	vmul.f32 v42, v16  }
0x104: {  	v55 =	vld [tilespmem:s12+$0xC3B0];
	v51 =	vmul.f32 v43, v16;
	v11 =	vmul.f32 $5.000000000e-01, v60;
	v14 =	vsub.f32 v30, v2  }
0x105: {  	v29 =	vld [tilespmem:s7+$0xC0];
	v34 =	vmul.f32 $-5.000000000e-01, v31;
	v17 =	vsub.f32 v33, v2;
	v53 =	vpop (erf);
	v8 =	vadd.f32 v44, v8  }
0x106: {  	v5 =	vadd.f32 v5, v7;
	v6 =	vadd.f32 v49, v6;
	v56 =	vmul.f32 v53, v52  }
0x107: {  	s14 =	spop (v2sf);
	v35 =	vld [tilespmem:s7+$0x100];
	v4 =	vadd.f32 v51, v4;
	v27 =	vmul.f32 $-5.000000000e-01, v11;
	v14 =	vmul.f32 $5.000000000e-01, v14  }
0x108: {  	s13 =	sand.u32 $0x1, s14;
	v36 =	vmul.f32 v34, v31;
	v39 =	vmul.f32 $5.000000000e-01, v17;
	v49 =	vadd.s32 $0x1, v1  }
0x109: {  	s13 =	sshll.u32 s13, $0x8;
	v31 =	vadd.s32 $0x5, v1;
	v13 =	vmul.f32 v48, v56;
	v12 =	vmul.f32 v50, v56  }
0x10a: {  	s14 =	sadd.s32 s13, s2;
	(v2sf) =	vpush v29, $0x0;
	v26 =	vmul.f32 v54, v56;
	v9 =	vmul.f32 v55, v56  }
0x10b: {  	s12 =	sshra.s32 s14, $0x2;
	vm10 =	vlt.u32 v49, $0x186A0;
	v11 =	vmul.f32 v27, v11;
	v38 =	vmul.f32 $-5.000000000e-01, v14  }
0x10c: {  	v58 =	vld [tilespmem:s12+$0xE380];
	v41 =	vmul.f32 $-5.000000000e-01, v39;
	(v2sf) =	vpush v35, $0x0;
	v5 =	vadd.f32 v12, v5  }
0x10d: {  	v11 =	vmul.f32 $1.442695020e+00, v11;
	v4 =	vadd.f32 v9, v4;
	v9 =	vmul.f32 v38, v14;
	v63 =	vpop (erf)  }
0x10e: {  	v40 =	vld [tilespmem:s7+$0x140];
	v12 =	vsub.f32 v37, v2;
	v45 =	vmul.f32 v41, v39;
	v15 =	vmul.f32 v63, v62  }
0x10f: {  	s13 =	sshrl.u32 s13, $0x2;
	v2 =	vsub.f32 v3, v2;
	(erf) = vpow2.f32 v11;
	v11 =	vmul.f32 $1.442695020e+00, v36  }
0x110: {  	v47 =	vld [tilespmem:s7+$0x180];
	s13 =	sadd.s32 s11, s13;
	vm14 =	vlt.u32 v31, $0x186A0;
	v43 =	vmul.f32 $5.000000000e-01, v12;
	v9 =	vmul.f32 $1.442695020e+00, v9  }
0x111: {  	v24 =	vld [tilespmem:s13+$0xE390];
	v59 =	vadd.f32 v46, v56;
	s14 =	spop (v2sf);
	v2 =	vmul.f32 $5.000000000e-01, v2;
	v7 =	vmul.f32 v58, v15  }
0x112: {  	v42 =	vld [tilespmem:s13+$0xE3A0];
	v8 =	vadd.f32 v13, v8;
	s13 =	sand.u32 $0x1, s14;
	(erf) = vpow2.f32 v11;
	v46 =	vmul.f32 $-5.000000000e-01, v43  }
0x113: {  	v44 =	vld [tilespmem:s12+$0xE3B0];
	(v2sf) =	vpush v40, $0x0;
	s12 =	sshll.u32 s13, $0x6;
	v48 =	vmul.f32 $1.442695020e+00, v45;
	v50 =	vmul.f32 $-5.000000000e-01, v2  }
0x114: {  	s12 =	sadd.s32 s11, s12;
	(erf) = vpow2.f32 v9;
	v7 =	vadd.f32 v7, v8;
	v8 =	vmul.f32 v46, v43  }
0x115: {  	v53 =	vsel vm10, $0x3F800000, v0;
	v35 =	vsel vm14, $0x3F800000, v0;
	s12 =	sadd.s32 $0x2380, s12;
	v2 =	vmul.f32 v50, v2  }
0x116: {  	v52 =	vld [tilespmem:s12+$0xE000];
	s14 =	spop (v2sf);
	(v2sf) =	vpush v47, $0x0;
	(erf) = vpow2.f32 v48;
	v8 =	vmul.f32 $1.442695020e+00, v8  }
0x117: {  	v6 =	vadd.f32 v26, v6;
	v26 =	vadd.s32 $0x4, v1;
	v55 =	vld [tilespmem:s12+$0xE010];
	s13 =	sand.u32 $0x1, s14;
	v2 =	vmul.f32 $1.442695020e+00, v2  }
0x118: {  	vm13 =	vlt.u32 v26, $0x186A0;
	v62 =	vadd.s32 $0x3, v1;
	v56 =	vld [tilespmem:s12+$0xE020];
	s13 =	sshll.u32 s13, $0x6;
	(erf) = vpow2.f32 v8  }
0x119: {  	v30 =	vsel vm13, $0x3F800000, v0;
	v3 =	vadd.f32 v59, v15;
	v57 =	vld [tilespmem:s12+$0xE030];
	v58 =	vadd.s32 $0x2, v1;
	s12 =	sadd.s32 s11, s13;
	v54 =	vpop (erf)  }
0x11a: {  	vm11 =	vlt.u32 v58, $0x186A0;
	v59 =	vld [tilespmem:s12+$0x12380];
	(erf) = vpow2.f32 v2;
	v9 =	vmul.f32 v54, v53;
	s14 =	spop (v2sf)  }
0x11b: {  	vm12 =	vlt.u32 v62, $0x186A0;
	v32 =	vmul.f32 v24, v15;
	v60 =	vsel vm11, $0x3F800000, v0;
	v61 =	vld [tilespmem:s12+$0x12390];
	v2 =	vpop (erf);
	s13 =	sand.u32 $0x1, s14  }
0x11c: {  	v51 =	vmul.f32 v42, v15;
	v63 =	vld [tilespmem:s12+$0x123A0];
	v3 =	vadd.f32 v3, v9;
	v2 =	vmul.f32 v2, v60;
	s13 =	sshll.u32 s13, $0x6  }
0x11d: {  	v10 =	vmul.f32 v44, v15;
	v25 =	vsel vm12, $0x3F800000, v0;
	v1 =	vadd.s32 $0x6, v1;
	v24 =	vld [tilespmem:s12+$0x123B0];
	v23 =	vpop (erf);
	s12 =	sadd.s32 s11, s13  }
0x11e: {  	v5 =	vadd.f32 v32, v5;
	s14 =	spop (v2sf);
	v14 =	vmul.f32 v23, v25;
	v3 =	vadd.f32 v3, v2;
	v27 =	vld [tilespmem:s12+$0x14380]  }
0x11f: {  	vm15 =	vlt.u32 v1, $0x186A0;
	v6 =	vadd.f32 v51, v6;
	v4 =	vadd.f32 v10, v4;
	v28 =	vpop (erf);
	s13 =	sand.u32 $0x1, s14;
	v29 =	vld [tilespmem:s12+$0x14390]  }
0x120: {  	v12 =	vmul.f32 v52, v9;
	v32 =	vld [tilespmem:s12+$0x143A0];
	v18 =	vmul.f32 v28, v30;
	s13 =	sshll.u32 s13, $0x6;
	v3 =	vadd.f32 v3, v14  }
0x121: {  	v39 =	vsel vm15, $0x3F800000, v0;
	v11 =	vmul.f32 v55, v9;
	v13 =	vmul.f32 v56, v9;
	v34 =	vld [tilespmem:s12+$0x143B0];
	s12 =	sadd.s32 s11, s13;
	v33 =	vpop (erf)  }
0x122: {  	s14 =	spop (v2sf);
	v7 =	vadd.f32 v12, v7;
	v36 =	vld [tilespmem:s12+$0x16380];
	v3 =	vadd.f32 v3, v18;
	v19 =	vmul.f32 v33, v35  }
0x123: {  	v37 =	vmul.f32 v57, v9;
	v5 =	vadd.f32 v11, v5;
	v1 =	vadd.f32 v13, v6;
	s13 =	sand.u32 $0x1, s14;
	v38 =	vld [tilespmem:s12+$0x16390];
	v40 =	vpop (erf)  }
0x124: {  	v10 =	vmul.f32 v59, v2;
	v41 =	vld [tilespmem:s12+$0x163A0];
	s13 =	sshll.u32 s13, $0x6;
	v9 =	vmul.f32 v40, v39;
	v3 =	vadd.f32 v3, v19  }
0x125: {  	v4 =	vadd.f32 v37, v4;
	v42 =	vmul.f32 v61, v2;
	v12 =	vmul.f32 v63, v2;
	v43 =	vld [tilespmem:s12+$0x163B0];
	s12 =	sadd.s32 s11, s13;
	s14 =	spop (v2sf)  }
0x126: {  	v7 =	vadd.f32 v10, v7;
	v44 =	vld [tilespmem:s12+$0x18380];
	s13 =	sand.u32 $0x1, s14;
	v3 =	vadd.f32 v3, v9  }
0x127: {  	v2 =	vmul.f32 v24, v2;
	v5 =	vadd.f32 v42, v5;
	v1 =	vadd.f32 v12, v1;
	v45 =	vld [tilespmem:s12+$0x18390];
	s13 =	sshll.u32 s13, $0x6  }
0x128: {  	v47 =	vld [tilespmem:s12+$0x183A0];
	v46 =	vmul.f32 v27, v14;
	v11 =	vmul.f32 v29, v14;
	s14 =	sadd.s32 s11, s13;
	v3 =	vmax.f32 v3, $9.999999930e-09  }
0x129: {  	v2 =	vadd.f32 v2, v4;
	v48 =	vmul.f32 v32, v14;
	v50 =	vld [tilespmem:s14+$0x1A380];
	(erf) = vrcp.f32 v3  }
0x12a: {  	v49 =	vmul.f32 v34, v14;
	v7 =	vadd.f32 v46, v7;
	v5 =	vadd.f32 v11, v5;
	v52 =	vld [tilespmem:s14+$0x1A390]  }
0x12b: {  	v1 =	vadd.f32 v48, v1;
	v51 =	vmul.f32 v36, v18;
	v8 =	vmul.f32 v38, v18;
	v3 =	vld [tilespmem:s12+$0x183B0]  }
0x12c: {  	v2 =	vadd.f32 v49, v2;
	v53 =	vmul.f32 v41, v18;
	v54 =	vmul.f32 v43, v18;
	v55 =	vld [tilespmem:s14+$0x1A3A0]  }
0x12d: {  	v57 =	vld [tilespmem:s14+$0x1A3B0];
	v4 =	vadd.f32 v51, v7;
	v5 =	vadd.f32 v8, v5;
	v56 =	vmul.f32 v44, v19  }
0x12e: {  	v1 =	vadd.f32 v53, v1;
	v2 =	vadd.f32 v54, v2;
	v6 =	vmul.f32 v45, v19  }
0x12f: {  	v58 =	vmul.f32 v47, v19;
	v4 =	vadd.f32 v56, v4;
	v59 =	vmul.f32 v50, v9  }
0x130: {  	v5 =	vadd.f32 v6, v5;
	v60 =	vmul.f32 v52, v9;
	v3 =	vmul.f32 v3, v19  }
0x131: {  	v1 =	vadd.f32 v58, v1;
	v61 =	vmul.f32 v55, v9;
	v4 =	vadd.f32 v59, v4  }
0x132: {  	v62 =	vmul.f32 v57, v9;
	v2 =	vadd.f32 v3, v2;
	v3 =	vadd.f32 v60, v5;
	v63 =	vpop (erf)  }
0x133: {  	p0 =	sne.s32 s2, $0x7E00;
	v1 =	vadd.f32 v61, v1;
	v4 =	vmul.f32 v4, v63  }
.Ltmp2:
0x134: {  	v2 =	vadd.f32 v62, v2;
	v3 =	vmul.f32 v3, v63;
	(pc) =	sbr.rel @p0 .LBB2_7-.Ltmp2, $4  }
0x135: {  	v1 =	vmul.f32 v1, v63;
	[tilespmem:s11+$0x1C380] =	vst v4  }
0x136: {  	v2 =	vmul.f32 v2, v63;
	[tilespmem:s11+$0x1C390] =	vst v3  }
0x137: {  	[tilespmem:s11+$0x1C3A0] =	vst v1  }
0x138: {  	s30 =	sadd.s32 $0x1, s30;
	s2 =	sadd.s32 $0x200, s2;
	s7 =	sadd.s32 $0x1, s7;
	[tilespmem:s11+$0x1C3B0] =	vst v2  }
0x139: {  	s0 =	sadd.s32 s4, s0;
	s31 =	sadd.s32 $0x1, s31  }
0x13a: {  	s0 =	sshll.u32 s0, $0x4;
	p0 =	sne.s32 s31, $0x8  }
.Ltmp3:
0x13b: {  	s0 =	sadd.s32 s6, s0;
	(pc) =	sbr.rel @p0 .LBB2_4-.Ltmp3, $4  }
0x13c: {  	[hbm4b:s0+s3] =	stream.linear.scatter [tilespmem:s29], [sflag:$0x2], $0x2000, $0x38;
	[tilespmem:$0x1E380] =	vst v63  }
0x13d: {  	_ =	swait.ge [sflag:s9], $0x2000  }
0x13e: {  	[sflag:s9] =	ssyncset.done $0x0  }
0x13f: {  	s8 =	sadd.s32 $0x40, s8;
	[sflag:s9] =	ssyncadd.s32 $0xFFFFE000  }
0x140: {  	s2 =	rddreg [dreg:$0x6]  }
0x141: {  	s0 =	rddreg [dreg:$0x5];
	s2 =	sadd.s32 $0x1, s2  }
0x142: {  	p0 =	sne.s32 s2, s0  }
.Ltmp4:
0x143: {  	_ = 	snop;
	(pc) =	sbr.rel @p0 .LBB2_1-.Ltmp4, $1  }
0x144: {  	_ =	sdelay $0x3  }
0x145: {  	_ =	sfence.sel $0x180000  }
0x146: {  	[bflag:$0x0] =	sbarrier.arrive $0xFFFF  }
0x147: {  	_ =	strace $0x90000047  }
0x148: {  	s0 =	stileid.u32;
	[bflag:$0x2] =	sbarrier.arrive $0xFFFF  }
0x149: {  	p0 =	sne.s32 s0, $0x0;
	s0 =	rddreg [dreg:$0x3]  }
0x14a: {  	s0 =	sadd.s32 @!p0 $0x100000, s0  }
0x14b: {  	[sflag:s0] =	ssyncadd.tile.s32 @!p0 $0x1;
	_ =	shalt  }
.Lfunc_end2:
_tile_overlayer_lowered:
.L_overlay_start_2:
0x14c: {  	(tag) =	ssettag $0x2  }
0x14d: {  	s0 =	rddreg [dreg:$0x0];
	s2 =	stileid.u32  }
0x14e: {  	s1 =	rddreg [dreg:$0x1];
	p0 =	sne.s32 s2, $0x0  }
0x14f: {  	s3 =	rddreg [dreg:$0x2];
	[bflag:$0x3] =	sbarrier.arrive $0xFFFF;
	s2 =	simm.s32 @!p0 $0x1C02  }
0x150: {  	[timem:s3], [sflag:s2] =	dma.local @!p0 [hbm:s0], s1  }
0x151: {  	s0 =	simm.s32 @!p0 $0x2  }
0x152: {  	_ =	swait.ge @!p0 [sflag:s0], s1  }
0x153: {  	s1 =	ssub.s32 @!p0 $0x0, s1;
	[sflag:s0] =	ssyncset.done @!p0 $0x0  }
0x154: {  	[sflag:s0] =	ssyncadd.s32 @!p0 s1  }
0x155: {  	[bflag:$0x3] =	sbarrier.arrive $0xFFFF  }
0x156: {  	_ =	shalt  }

</sc_bundles>
